<compile_context>
chip_gen: v7x
topology: tpu7x:2x2x1
jax: 0.10.2.dev20260603
libtpu: 0.0.44.dev20260713+nightly
codegen_flags: <defaults>
</compile_context>

<pallas_src>
import jax
import jax.numpy as jnp
from jax import lax
from jax.experimental import pallas as pl
from jax.experimental.pallas import tpu as pltpu
from jax.experimental.pallas import tpu_sc as plsc

VOCAB = 100002
EMBED_DIM = 128
BATCH = 4096
HIST_LEN = 200

NC = 2
NS = 16
NW = NC * NS

CHUNK = 64
TOTAL = BATCH * HIST_LEN
PER_W = TOTAL // NW
N_CHUNKS = PER_W // CHUNK
NBUF = 8
N_ROUNDS = N_CHUNKS // NBUF


def _emb_kernel(idx_hbm, table_hbm, out_hbm, idx_v, rows_v, *sems):
    sg = sems[:NBUF]
    so = sems[NBUF:]
    wid = lax.axis_index("s") * NC + lax.axis_index("c")
    base = wid * PER_W

    pltpu.sync_copy(idx_hbm.at[wid], idx_v)

    def gather(chunk, slot):
        return pltpu.make_async_copy(
            table_hbm.at[idx_v.at[chunk]], rows_v.at[slot], sg[slot])

    def put(chunk, slot):
        return pltpu.make_async_copy(
            rows_v.at[slot], out_hbm.at[pl.ds(base + chunk * CHUNK, CHUNK)],
            so[slot])

    for b in range(NBUF):
        gather(b, b).start()

    def round_body(g):
        for b in range(NBUF):
            i = g * NBUF + b
            gather(i, b).wait()
            put(i, b).start()
            put(i, b).wait()
            gather(i + NBUF, b).start()

    pl.loop(0, N_ROUNDS - 1)(round_body)

    for b in range(NBUF):
        i = N_CHUNKS - NBUF + b
        gather(i, b).wait()
        put(i, b).start()
    for b in range(NBUF):
        i = N_CHUNKS - NBUF + b
        put(i, b).wait()


def kernel(x, table):
    idx = x.astype(jnp.int32).reshape(NW, N_CHUNKS, CHUNK)
    mesh = plsc.VectorSubcoreMesh(core_axis_name="c", subcore_axis_name="s")
    out = pl.kernel(
        _emb_kernel,
        mesh=mesh,
        out_type=jax.ShapeDtypeStruct((TOTAL, EMBED_DIM), jnp.float32),
        scratch_types=[
            pltpu.VMEM((N_CHUNKS, CHUNK), jnp.int32),
            pltpu.VMEM((NBUF, CHUNK, EMBED_DIM), jnp.float32),
        ] + [pltpu.SemaphoreType.DMA] * (2 * NBUF),
    )(idx, table)
    return out.reshape(BATCH, HIST_LEN, EMBED_DIM)

# --- scband reference (transcript-rebuilt; emitter-appended) ---
"""Pipeline reference for scband-embedding-word2-vec-85272280694944 (READ-ONLY COPY).

The authoritative reference and input builder live on the scoring server;
editing this copy changes nothing except your own understanding.
"""

import jax, jax.numpy as jnp
import numpy as np

VOCAB = 100002  # 100000 word2vec rows + pad + unk
EMBED_DIM = 128
BATCH = 4096
HIST_LEN = 200


def setup_inputs(seed: int = 0) -> dict:
    key = jax.random.key(seed)
    k_idx, k_tab = jax.random.split(key)
    x = jax.random.randint(k_idx, (BATCH, HIST_LEN), 0, VOCAB, dtype=jnp.int64)
    # Emulate the word2vec-initialized embedding matrix:
    # row 0 = pad (zeros), row 1 = unk (mean of word vectors), rows 2.. = word vectors
    word_vecs = jax.random.normal(k_tab, (VOCAB - 2, EMBED_DIM), dtype=jnp.float32)
    pad_row = jnp.zeros((1, EMBED_DIM), dtype=jnp.float32)
    unk_row = jnp.mean(word_vecs, axis=0, keepdims=True)
    table = jnp.concatenate([pad_row, unk_row, word_vecs], axis=0)
    return {"x": x, "table": table}


def reference(x, table):
    # nn.Embedding forward == row gather from the embedding matrix
    return jnp.take(table, x, axis=0)

if __name__ == "__main__":
    import jax
    _d = setup_inputs()
    print(jax.jit(kernel)(*tuple(_d.values())))

</pallas_src>

<mosaic_0001>
#map = affine_map<(d0, d1) -> (0, 0, 0)>
#map1 = affine_map<(d0, d1) -> (0, 0)>
module attributes {stable_mosaic.version = 14 : i64} {
  func.func @_emb_kernel(%arg0: i32, %arg1: i32, %arg2: memref<32x400x64xi32, #tpu.memory_space<hbm>>, %arg3: memref<100002x128xf32, #tpu.memory_space<hbm>>, %arg4: memref<819200x128xf32, #tpu.memory_space<hbm>>, %arg5: memref<400x64xi32, #tpu.memory_space<vmem>>, %arg6: memref<8x64x128xf32, #tpu.memory_space<vmem>>, %arg7: memref<!tpu.dma_semaphore, #tpu.memory_space<semaphore_mem>>, %arg8: memref<!tpu.dma_semaphore, #tpu.memory_space<semaphore_mem>>, %arg9: memref<!tpu.dma_semaphore, #tpu.memory_space<semaphore_mem>>, %arg10: memref<!tpu.dma_semaphore, #tpu.memory_space<semaphore_mem>>, %arg11: memref<!tpu.dma_semaphore, #tpu.memory_space<semaphore_mem>>, %arg12: memref<!tpu.dma_semaphore, #tpu.memory_space<semaphore_mem>>, %arg13: memref<!tpu.dma_semaphore, #tpu.memory_space<semaphore_mem>>, %arg14: memref<!tpu.dma_semaphore, #tpu.memory_space<semaphore_mem>>, %arg15: memref<!tpu.dma_semaphore, #tpu.memory_space<semaphore_mem>>, %arg16: memref<!tpu.dma_semaphore, #tpu.memory_space<semaphore_mem>>, %arg17: memref<!tpu.dma_semaphore, #tpu.memory_space<semaphore_mem>>, %arg18: memref<!tpu.dma_semaphore, #tpu.memory_space<semaphore_mem>>, %arg19: memref<!tpu.dma_semaphore, #tpu.memory_space<semaphore_mem>>, %arg20: memref<!tpu.dma_semaphore, #tpu.memory_space<semaphore_mem>>, %arg21: memref<!tpu.dma_semaphore, #tpu.memory_space<semaphore_mem>>, %arg22: memref<!tpu.dma_semaphore, #tpu.memory_space<semaphore_mem>>) attributes {dimension_semantics = [#tpu.dimension_semantics<core_parallel>, #tpu.dimension_semantics<subcore_parallel>], iteration_bounds = array<i64: 2, 16>, scalar_prefetch = 0 : i64, scratch_operands = 18 : i64, tpu.core_type = #tpu.core_type<sc_vector_subcore>, window_params = [{transform_indices = #map}, {transform_indices = #map1}, {transform_indices = #map1}]} {
    %mul3A = arith.constant 2 : i32
    %mul3A_0 = arith.muli %arg1, %mul3A : i32
    %add3A = arith.addi %mul3A_0, %arg0 : i32
    %mul3A_1 = arith.constant 25600 : i32
    %mul3A_2 = arith.muli %add3A, %mul3A_1 : i32
    "tpu.region"() ({
      %run_scoped3A = tpu.sem_alloc : memref<!tpu.dma_semaphore, #tpu.memory_space<semaphore_mem>>
      %dma_start3A_437 = arith.constant 0 : i32
      %dma_start3A_438 = arith.constant 0 : i32
      %dma_start3A_439 = tpu.memref_slice %arg2[%add3A, %dma_start3A_437, %dma_start3A_438] : memref<32x400x64xi32, #tpu.memory_space<hbm>> -> memref<1x400x64xi32, #tpu.memory_space<hbm>>
      %dma_start3A_440 = tpu.memref_squeeze %dma_start3A_439 : memref<1x400x64xi32, #tpu.memory_space<hbm>> -> memref<400x64xi32, #tpu.memory_space<hbm>>
      %dma_start3A_441 = arith.constant 0 : i32
      %dma_start3A_442 = arith.constant 0 : i32
      %dma_start3A_443 = tpu.memref_slice %arg2[%add3A, %dma_start3A_441, %dma_start3A_442] : memref<32x400x64xi32, #tpu.memory_space<hbm>> -> memref<1x400x64xi32, #tpu.memory_space<hbm>>
      %dma_start3A_444 = tpu.memref_squeeze %dma_start3A_443 : memref<1x400x64xi32, #tpu.memory_space<hbm>> -> memref<400x64xi32, #tpu.memory_space<hbm>>
      tpu.enqueue_dma source(%dma_start3A_444 : memref<400x64xi32, #tpu.memory_space<hbm>>) target(%arg5 : memref<400x64xi32, #tpu.memory_space<vmem>>) target_semaphore(%run_scoped3A : memref<!tpu.dma_semaphore, #tpu.memory_space<semaphore_mem>>)
      %dma_wait3A_445 = arith.constant 0 : i32
      %dma_wait3A_446 = arith.constant 0 : i32
      %dma_wait3A_447 = tpu.memref_slice %arg2[%add3A, %dma_wait3A_445, %dma_wait3A_446] : memref<32x400x64xi32, #tpu.memory_space<hbm>> -> memref<1x400x64xi32, #tpu.memory_space<hbm>>
      %dma_wait3A_448 = tpu.memref_squeeze %dma_wait3A_447 : memref<1x400x64xi32, #tpu.memory_space<hbm>> -> memref<400x64xi32, #tpu.memory_space<hbm>>
      %dma_wait3A_449 = arith.constant 0 : i32
      %dma_wait3A_450 = arith.constant 0 : i32
      %dma_wait3A_451 = tpu.memref_slice %arg2[%add3A, %dma_wait3A_449, %dma_wait3A_450] : memref<32x400x64xi32, #tpu.memory_space<hbm>> -> memref<1x400x64xi32, #tpu.memory_space<hbm>>
      %dma_wait3A_452 = tpu.memref_squeeze %dma_wait3A_451 : memref<1x400x64xi32, #tpu.memory_space<hbm>> -> memref<400x64xi32, #tpu.memory_space<hbm>>
      tpu.wait_dma2 semaphore(%run_scoped3A : memref<!tpu.dma_semaphore, #tpu.memory_space<semaphore_mem>>) src(%dma_wait3A_452 : memref<400x64xi32, #tpu.memory_space<hbm>>) dst(%arg5 : memref<400x64xi32, #tpu.memory_space<vmem>>)
      tpu.yield
    }) : () -> ()
    %dma_start3A = arith.constant 0 : i32
    %dma_start3A_3 = arith.constant 0 : i32
    %dma_start3A_4 = arith.constant 0 : i32
    %dma_start3A_5 = arith.constant 0 : i32
    %dma_start3A_6 = tpu.memref_slice %arg6[%dma_start3A_3, %dma_start3A_4, %dma_start3A_5] : memref<8x64x128xf32, #tpu.memory_space<vmem>> -> memref<1x64x128xf32, #tpu.memory_space<vmem>>
    %dma_start3A_7 = tpu.memref_squeeze %dma_start3A_6 : memref<1x64x128xf32, #tpu.memory_space<vmem>> -> memref<64x128xf32, #tpu.memory_space<vmem>>
    %dma_start3A_8 = arith.constant 0 : i32
    %dma_start3A_9 = tpu.memref_slice %arg5[%dma_start3A, %dma_start3A_8] : memref<400x64xi32, #tpu.memory_space<vmem>> -> memref<1x64xi32, #tpu.memory_space<vmem>>
    %dma_start3A_10 = tpu.memref_squeeze %dma_start3A_9 : memref<1x64xi32, #tpu.memory_space<vmem>> -> memref<64xi32, #tpu.memory_space<vmem>>
    %dma_start3A_11 = arith.constant 0 : i32
    %dma_start3A_12 = arith.constant 0 : i32
    %dma_start3A_13 = tpu.memref_slice %arg3[%dma_start3A_11, %dma_start3A_12] : memref<100002x128xf32, #tpu.memory_space<hbm>> -> memref<100002x128xf32, #tpu.memory_space<hbm>>
    tpu.enqueue_indirect_dma source(%dma_start3A_13 : memref<100002x128xf32, #tpu.memory_space<hbm>>) target(%dma_start3A_7 : memref<64x128xf32, #tpu.memory_space<vmem>>) offsets(%dma_start3A_10 : memref<64xi32, #tpu.memory_space<vmem>>) semaphore(%arg7 : memref<!tpu.dma_semaphore, #tpu.memory_space<semaphore_mem>>)
    %dma_start3A_14 = arith.constant 1 : i32
    %dma_start3A_15 = arith.constant 1 : i32
    %dma_start3A_16 = arith.constant 0 : i32
    %dma_start3A_17 = arith.constant 0 : i32
    %dma_start3A_18 = tpu.memref_slice %arg6[%dma_start3A_15, %dma_start3A_16, %dma_start3A_17] : memref<8x64x128xf32, #tpu.memory_space<vmem>> -> memref<1x64x128xf32, #tpu.memory_space<vmem>>
    %dma_start3A_19 = tpu.memref_squeeze %dma_start3A_18 : memref<1x64x128xf32, #tpu.memory_space<vmem>> -> memref<64x128xf32, #tpu.memory_space<vmem>>
    %dma_start3A_20 = arith.constant 0 : i32
    %dma_start3A_21 = tpu.memref_slice %arg5[%dma_start3A_14, %dma_start3A_20] : memref<400x64xi32, #tpu.memory_space<vmem>> -> memref<1x64xi32, #tpu.memory_space<vmem>>
    %dma_start3A_22 = tpu.memref_squeeze %dma_start3A_21 : memref<1x64xi32, #tpu.memory_space<vmem>> -> memref<64xi32, #tpu.memory_space<vmem>>
    %dma_start3A_23 = arith.constant 0 : i32
    %dma_start3A_24 = arith.constant 0 : i32
    %dma_start3A_25 = tpu.memref_slice %arg3[%dma_start3A_23, %dma_start3A_24] : memref<100002x128xf32, #tpu.memory_space<hbm>> -> memref<100002x128xf32, #tpu.memory_space<hbm>>
    tpu.enqueue_indirect_dma source(%dma_start3A_25 : memref<100002x128xf32, #tpu.memory_space<hbm>>) target(%dma_start3A_19 : memref<64x128xf32, #tpu.memory_space<vmem>>) offsets(%dma_start3A_22 : memref<64xi32, #tpu.memory_space<vmem>>) semaphore(%arg8 : memref<!tpu.dma_semaphore, #tpu.memory_space<semaphore_mem>>)
    %dma_start3A_26 = arith.constant 2 : i32
    %dma_start3A_27 = arith.constant 2 : i32
    %dma_start3A_28 = arith.constant 0 : i32
    %dma_start3A_29 = arith.constant 0 : i32
    %dma_start3A_30 = tpu.memref_slice %arg6[%dma_start3A_27, %dma_start3A_28, %dma_start3A_29] : memref<8x64x128xf32, #tpu.memory_space<vmem>> -> memref<1x64x128xf32, #tpu.memory_space<vmem>>
    %dma_start3A_31 = tpu.memref_squeeze %dma_start3A_30 : memref<1x64x128xf32, #tpu.memory_space<vmem>> -> memref<64x128xf32, #tpu.memory_space<vmem>>
    %dma_start3A_32 = arith.constant 0 : i32
    %dma_start3A_33 = tpu.memref_slice %arg5[%dma_start3A_26, %dma_start3A_32] : memref<400x64xi32, #tpu.memory_space<vmem>> -> memref<1x64xi32, #tpu.memory_space<vmem>>
    %dma_start3A_34 = tpu.memref_squeeze %dma_start3A_33 : memref<1x64xi32, #tpu.memory_space<vmem>> -> memref<64xi32, #tpu.memory_space<vmem>>
    %dma_start3A_35 = arith.constant 0 : i32
    %dma_start3A_36 = arith.constant 0 : i32
    %dma_start3A_37 = tpu.memref_slice %arg3[%dma_start3A_35, %dma_start3A_36] : memref<100002x128xf32, #tpu.memory_space<hbm>> -> memref<100002x128xf32, #tpu.memory_space<hbm>>
    tpu.enqueue_indirect_dma source(%dma_start3A_37 : memref<100002x128xf32, #tpu.memory_space<hbm>>) target(%dma_start3A_31 : memref<64x128xf32, #tpu.memory_space<vmem>>) offsets(%dma_start3A_34 : memref<64xi32, #tpu.memory_space<vmem>>) semaphore(%arg9 : memref<!tpu.dma_semaphore, #tpu.memory_space<semaphore_mem>>)
    %dma_start3A_38 = arith.constant 3 : i32
    %dma_start3A_39 = arith.constant 3 : i32
    %dma_start3A_40 = arith.constant 0 : i32
    %dma_start3A_41 = arith.constant 0 : i32
    %dma_start3A_42 = tpu.memref_slice %arg6[%dma_start3A_39, %dma_start3A_40, %dma_start3A_41] : memref<8x64x128xf32, #tpu.memory_space<vmem>> -> memref<1x64x128xf32, #tpu.memory_space<vmem>>
    %dma_start3A_43 = tpu.memref_squeeze %dma_start3A_42 : memref<1x64x128xf32, #tpu.memory_space<vmem>> -> memref<64x128xf32, #tpu.memory_space<vmem>>
    %dma_start3A_44 = arith.constant 0 : i32
    %dma_start3A_45 = tpu.memref_slice %arg5[%dma_start3A_38, %dma_start3A_44] : memref<400x64xi32, #tpu.memory_space<vmem>> -> memref<1x64xi32, #tpu.memory_space<vmem>>
    %dma_start3A_46 = tpu.memref_squeeze %dma_start3A_45 : memref<1x64xi32, #tpu.memory_space<vmem>> -> memref<64xi32, #tpu.memory_space<vmem>>
    %dma_start3A_47 = arith.constant 0 : i32
    %dma_start3A_48 = arith.constant 0 : i32
    %dma_start3A_49 = tpu.memref_slice %arg3[%dma_start3A_47, %dma_start3A_48] : memref<100002x128xf32, #tpu.memory_space<hbm>> -> memref<100002x128xf32, #tpu.memory_space<hbm>>
    tpu.enqueue_indirect_dma source(%dma_start3A_49 : memref<100002x128xf32, #tpu.memory_space<hbm>>) target(%dma_start3A_43 : memref<64x128xf32, #tpu.memory_space<vmem>>) offsets(%dma_start3A_46 : memref<64xi32, #tpu.memory_space<vmem>>) semaphore(%arg10 : memref<!tpu.dma_semaphore, #tpu.memory_space<semaphore_mem>>)
    %dma_start3A_50 = arith.constant 4 : i32
    %dma_start3A_51 = arith.constant 4 : i32
    %dma_start3A_52 = arith.constant 0 : i32
    %dma_start3A_53 = arith.constant 0 : i32
    %dma_start3A_54 = tpu.memref_slice %arg6[%dma_start3A_51, %dma_start3A_52, %dma_start3A_53] : memref<8x64x128xf32, #tpu.memory_space<vmem>> -> memref<1x64x128xf32, #tpu.memory_space<vmem>>
    %dma_start3A_55 = tpu.memref_squeeze %dma_start3A_54 : memref<1x64x128xf32, #tpu.memory_space<vmem>> -> memref<64x128xf32, #tpu.memory_space<vmem>>
    %dma_start3A_56 = arith.constant 0 : i32
    %dma_start3A_57 = tpu.memref_slice %arg5[%dma_start3A_50, %dma_start3A_56] : memref<400x64xi32, #tpu.memory_space<vmem>> -> memref<1x64xi32, #tpu.memory_space<vmem>>
    %dma_start3A_58 = tpu.memref_squeeze %dma_start3A_57 : memref<1x64xi32, #tpu.memory_space<vmem>> -> memref<64xi32, #tpu.memory_space<vmem>>
    %dma_start3A_59 = arith.constant 0 : i32
    %dma_start3A_60 = arith.constant 0 : i32
    %dma_start3A_61 = tpu.memref_slice %arg3[%dma_start3A_59, %dma_start3A_60] : memref<100002x128xf32, #tpu.memory_space<hbm>> -> memref<100002x128xf32, #tpu.memory_space<hbm>>
    tpu.enqueue_indirect_dma source(%dma_start3A_61 : memref<100002x128xf32, #tpu.memory_space<hbm>>) target(%dma_start3A_55 : memref<64x128xf32, #tpu.memory_space<vmem>>) offsets(%dma_start3A_58 : memref<64xi32, #tpu.memory_space<vmem>>) semaphore(%arg11 : memref<!tpu.dma_semaphore, #tpu.memory_space<semaphore_mem>>)
    %dma_start3A_62 = arith.constant 5 : i32
    %dma_start3A_63 = arith.constant 5 : i32
    %dma_start3A_64 = arith.constant 0 : i32
    %dma_start3A_65 = arith.constant 0 : i32
    %dma_start3A_66 = tpu.memref_slice %arg6[%dma_start3A_63, %dma_start3A_64, %dma_start3A_65] : memref<8x64x128xf32, #tpu.memory_space<vmem>> -> memref<1x64x128xf32, #tpu.memory_space<vmem>>
    %dma_start3A_67 = tpu.memref_squeeze %dma_start3A_66 : memref<1x64x128xf32, #tpu.memory_space<vmem>> -> memref<64x128xf32, #tpu.memory_space<vmem>>
    %dma_start3A_68 = arith.constant 0 : i32
    %dma_start3A_69 = tpu.memref_slice %arg5[%dma_start3A_62, %dma_start3A_68] : memref<400x64xi32, #tpu.memory_space<vmem>> -> memref<1x64xi32, #tpu.memory_space<vmem>>
    %dma_start3A_70 = tpu.memref_squeeze %dma_start3A_69 : memref<1x64xi32, #tpu.memory_space<vmem>> -> memref<64xi32, #tpu.memory_space<vmem>>
    %dma_start3A_71 = arith.constant 0 : i32
    %dma_start3A_72 = arith.constant 0 : i32
    %dma_start3A_73 = tpu.memref_slice %arg3[%dma_start3A_71, %dma_start3A_72] : memref<100002x128xf32, #tpu.memory_space<hbm>> -> memref<100002x128xf32, #tpu.memory_space<hbm>>
    tpu.enqueue_indirect_dma source(%dma_start3A_73 : memref<100002x128xf32, #tpu.memory_space<hbm>>) target(%dma_start3A_67 : memref<64x128xf32, #tpu.memory_space<vmem>>) offsets(%dma_start3A_70 : memref<64xi32, #tpu.memory_space<vmem>>) semaphore(%arg12 : memref<!tpu.dma_semaphore, #tpu.memory_space<semaphore_mem>>)
    %dma_start3A_74 = arith.constant 6 : i32
    %dma_start3A_75 = arith.constant 6 : i32
    %dma_start3A_76 = arith.constant 0 : i32
    %dma_start3A_77 = arith.constant 0 : i32
    %dma_start3A_78 = tpu.memref_slice %arg6[%dma_start3A_75, %dma_start3A_76, %dma_start3A_77] : memref<8x64x128xf32, #tpu.memory_space<vmem>> -> memref<1x64x128xf32, #tpu.memory_space<vmem>>
    %dma_start3A_79 = tpu.memref_squeeze %dma_start3A_78 : memref<1x64x128xf32, #tpu.memory_space<vmem>> -> memref<64x128xf32, #tpu.memory_space<vmem>>
    %dma_start3A_80 = arith.constant 0 : i32
    %dma_start3A_81 = tpu.memref_slice %arg5[%dma_start3A_74, %dma_start3A_80] : memref<400x64xi32, #tpu.memory_space<vmem>> -> memref<1x64xi32, #tpu.memory_space<vmem>>
    %dma_start3A_82 = tpu.memref_squeeze %dma_start3A_81 : memref<1x64xi32, #tpu.memory_space<vmem>> -> memref<64xi32, #tpu.memory_space<vmem>>
    %dma_start3A_83 = arith.constant 0 : i32
    %dma_start3A_84 = arith.constant 0 : i32
    %dma_start3A_85 = tpu.memref_slice %arg3[%dma_start3A_83, %dma_start3A_84] : memref<100002x128xf32, #tpu.memory_space<hbm>> -> memref<100002x128xf32, #tpu.memory_space<hbm>>
    tpu.enqueue_indirect_dma source(%dma_start3A_85 : memref<100002x128xf32, #tpu.memory_space<hbm>>) target(%dma_start3A_79 : memref<64x128xf32, #tpu.memory_space<vmem>>) offsets(%dma_start3A_82 : memref<64xi32, #tpu.memory_space<vmem>>) semaphore(%arg13 : memref<!tpu.dma_semaphore, #tpu.memory_space<semaphore_mem>>)
    %dma_start3A_86 = arith.constant 7 : i32
    %dma_start3A_87 = arith.constant 7 : i32
    %dma_start3A_88 = arith.constant 0 : i32
    %dma_start3A_89 = arith.constant 0 : i32
    %dma_start3A_90 = tpu.memref_slice %arg6[%dma_start3A_87, %dma_start3A_88, %dma_start3A_89] : memref<8x64x128xf32, #tpu.memory_space<vmem>> -> memref<1x64x128xf32, #tpu.memory_space<vmem>>
    %dma_start3A_91 = tpu.memref_squeeze %dma_start3A_90 : memref<1x64x128xf32, #tpu.memory_space<vmem>> -> memref<64x128xf32, #tpu.memory_space<vmem>>
    %dma_start3A_92 = arith.constant 0 : i32
    %dma_start3A_93 = tpu.memref_slice %arg5[%dma_start3A_86, %dma_start3A_92] : memref<400x64xi32, #tpu.memory_space<vmem>> -> memref<1x64xi32, #tpu.memory_space<vmem>>
    %dma_start3A_94 = tpu.memref_squeeze %dma_start3A_93 : memref<1x64xi32, #tpu.memory_space<vmem>> -> memref<64xi32, #tpu.memory_space<vmem>>
    %dma_start3A_95 = arith.constant 0 : i32
    %dma_start3A_96 = arith.constant 0 : i32
    %dma_start3A_97 = tpu.memref_slice %arg3[%dma_start3A_95, %dma_start3A_96] : memref<100002x128xf32, #tpu.memory_space<hbm>> -> memref<100002x128xf32, #tpu.memory_space<hbm>>
    tpu.enqueue_indirect_dma source(%dma_start3A_97 : memref<100002x128xf32, #tpu.memory_space<hbm>>) target(%dma_start3A_91 : memref<64x128xf32, #tpu.memory_space<vmem>>) offsets(%dma_start3A_94 : memref<64xi32, #tpu.memory_space<vmem>>) semaphore(%arg14 : memref<!tpu.dma_semaphore, #tpu.memory_space<semaphore_mem>>)
    %scan3A = arith.constant 0 : i32
    %scan3A_98 = arith.constant 49 : i32
    %scan3A_99 = arith.addi %scan3A, %scan3A_98 : i32
    %scan3A_100 = arith.constant 1 : i32
    scf.for %scan3A_437 = %scan3A to %scan3A_99 step %scan3A_100  : i32 {
      %mul3A_438 = arith.constant 1 : i32
      %mul3A_439 = arith.muli %scan3A_437, %mul3A_438 : i32
      %add3A_440 = arith.constant 0 : i32
      %add3A_441 = arith.addi %add3A_440, %mul3A_439 : i32
      %mul3A_442 = arith.constant 8 : i32
      %mul3A_443 = arith.muli %add3A_441, %mul3A_442 : i32
      %add3A_444 = arith.constant 0 : i32
      %add3A_445 = arith.addi %mul3A_443, %add3A_444 : i32
      %dma_wait3A_446 = arith.constant 0 : i32
      %dma_wait3A_447 = arith.constant 0 : i32
      %dma_wait3A_448 = arith.constant 0 : i32
      %dma_wait3A_449 = tpu.memref_slice %arg6[%dma_wait3A_446, %dma_wait3A_447, %dma_wait3A_448] : memref<8x64x128xf32, #tpu.memory_space<vmem>> -> memref<1x64x128xf32, #tpu.memory_space<vmem>>
      %dma_wait3A_450 = tpu.memref_squeeze %dma_wait3A_449 : memref<1x64x128xf32, #tpu.memory_space<vmem>> -> memref<64x128xf32, #tpu.memory_space<vmem>>
      %dma_wait3A_451 = arith.constant 0 : i32
      %dma_wait3A_452 = tpu.memref_slice %arg5[%add3A_445, %dma_wait3A_451] : memref<400x64xi32, #tpu.memory_space<vmem>> -> memref<1x64xi32, #tpu.memory_space<vmem>>
      %dma_wait3A_453 = tpu.memref_squeeze %dma_wait3A_452 : memref<1x64xi32, #tpu.memory_space<vmem>> -> memref<64xi32, #tpu.memory_space<vmem>>
      %dma_wait3A_454 = arith.constant 0 : i32
      %dma_wait3A_455 = arith.constant 0 : i32
      %dma_wait3A_456 = tpu.memref_slice %arg3[%dma_wait3A_454, %dma_wait3A_455] : memref<100002x128xf32, #tpu.memory_space<hbm>> -> memref<100002x128xf32, #tpu.memory_space<hbm>>
      tpu.wait_indirect_dma semaphore(%arg7 : memref<!tpu.dma_semaphore, #tpu.memory_space<semaphore_mem>>) src(%dma_wait3A_456 : memref<100002x128xf32, #tpu.memory_space<hbm>>) dst(%dma_wait3A_450 : memref<64x128xf32, #tpu.memory_space<vmem>>)
      %mul3A_457 = arith.constant 64 : i32
      %mul3A_458 = arith.muli %add3A_445, %mul3A_457 : i32
      %add3A_459 = arith.addi %mul3A_2, %mul3A_458 : i32
      %dma_start3A_460 = arith.constant 0 : i32
      %dma_start3A_461 = arith.constant 0 : i32
      %dma_start3A_462 = arith.constant 0 : i32
      %dma_start3A_463 = tpu.memref_slice %arg6[%dma_start3A_460, %dma_start3A_461, %dma_start3A_462] : memref<8x64x128xf32, #tpu.memory_space<vmem>> -> memref<1x64x128xf32, #tpu.memory_space<vmem>>
      %dma_start3A_464 = tpu.memref_squeeze %dma_start3A_463 : memref<1x64x128xf32, #tpu.memory_space<vmem>> -> memref<64x128xf32, #tpu.memory_space<vmem>>
      %dma_start3A_465 = arith.constant 0 : i32
      %dma_start3A_466 = tpu.memref_slice %arg4[%add3A_459, %dma_start3A_465] : memref<819200x128xf32, #tpu.memory_space<hbm>> -> memref<64x128xf32, #tpu.memory_space<hbm>>
      %dma_start3A_467 = arith.constant 0 : i32
      %dma_start3A_468 = tpu.memref_slice %arg4[%add3A_459, %dma_start3A_467] : memref<819200x128xf32, #tpu.memory_space<hbm>> -> memref<64x128xf32, #tpu.memory_space<hbm>>
      %dma_start3A_469 = arith.constant 0 : i32
      %dma_start3A_470 = arith.constant 0 : i32
      %dma_start3A_471 = tpu.memref_slice %arg6[%dma_start3A_460, %dma_start3A_469, %dma_start3A_470] : memref<8x64x128xf32, #tpu.memory_space<vmem>> -> memref<1x64x128xf32, #tpu.memory_space<vmem>>
      %dma_start3A_472 = tpu.memref_squeeze %dma_start3A_471 : memref<1x64x128xf32, #tpu.memory_space<vmem>> -> memref<64x128xf32, #tpu.memory_space<vmem>>
      tpu.enqueue_dma source(%dma_start3A_472 : memref<64x128xf32, #tpu.memory_space<vmem>>) target(%dma_start3A_468 : memref<64x128xf32, #tpu.memory_space<hbm>>) target_semaphore(%arg15 : memref<!tpu.dma_semaphore, #tpu.memory_space<semaphore_mem>>)
      %mul3A_473 = arith.constant 64 : i32
      %mul3A_474 = arith.muli %add3A_445, %mul3A_473 : i32
      %add3A_475 = arith.addi %mul3A_2, %mul3A_474 : i32
      %dma_wait3A_476 = arith.constant 0 : i32
      %dma_wait3A_477 = arith.constant 0 : i32
      %dma_wait3A_478 = arith.constant 0 : i32
      %dma_wait3A_479 = tpu.memref_slice %arg6[%dma_wait3A_476, %dma_wait3A_477, %dma_wait3A_478] : memref<8x64x128xf32, #tpu.memory_space<vmem>> -> memref<1x64x128xf32, #tpu.memory_space<vmem>>
      %dma_wait3A_480 = tpu.memref_squeeze %dma_wait3A_479 : memref<1x64x128xf32, #tpu.memory_space<vmem>> -> memref<64x128xf32, #tpu.memory_space<vmem>>
      %dma_wait3A_481 = arith.constant 0 : i32
      %dma_wait3A_482 = tpu.memref_slice %arg4[%add3A_475, %dma_wait3A_481] : memref<819200x128xf32, #tpu.memory_space<hbm>> -> memref<64x128xf32, #tpu.memory_space<hbm>>
      %dma_wait3A_483 = arith.constant 0 : i32
      %dma_wait3A_484 = tpu.memref_slice %arg4[%add3A_475, %dma_wait3A_483] : memref<819200x128xf32, #tpu.memory_space<hbm>> -> memref<64x128xf32, #tpu.memory_space<hbm>>
      %dma_wait3A_485 = arith.constant 0 : i32
      %dma_wait3A_486 = arith.constant 0 : i32
      %dma_wait3A_487 = tpu.memref_slice %arg6[%dma_wait3A_476, %dma_wait3A_485, %dma_wait3A_486] : memref<8x64x128xf32, #tpu.memory_space<vmem>> -> memref<1x64x128xf32, #tpu.memory_space<vmem>>
      %dma_wait3A_488 = tpu.memref_squeeze %dma_wait3A_487 : memref<1x64x128xf32, #tpu.memory_space<vmem>> -> memref<64x128xf32, #tpu.memory_space<vmem>>
      tpu.wait_dma2 semaphore(%arg15 : memref<!tpu.dma_semaphore, #tpu.memory_space<semaphore_mem>>) src(%dma_wait3A_488 : memref<64x128xf32, #tpu.memory_space<vmem>>) dst(%dma_wait3A_484 : memref<64x128xf32, #tpu.memory_space<hbm>>)
      %add3A_489 = arith.constant 8 : i32
      %add3A_490 = arith.addi %add3A_445, %add3A_489 : i32
      %dma_start3A_491 = arith.constant 0 : i32
      %dma_start3A_492 = arith.constant 0 : i32
      %dma_start3A_493 = arith.constant 0 : i32
      %dma_start3A_494 = tpu.memref_slice %arg6[%dma_start3A_491, %dma_start3A_492, %dma_start3A_493] : memref<8x64x128xf32, #tpu.memory_space<vmem>> -> memref<1x64x128xf32, #tpu.memory_space<vmem>>
      %dma_start3A_495 = tpu.memref_squeeze %dma_start3A_494 : memref<1x64x128xf32, #tpu.memory_space<vmem>> -> memref<64x128xf32, #tpu.memory_space<vmem>>
      %dma_start3A_496 = arith.constant 0 : i32
      %dma_start3A_497 = tpu.memref_slice %arg5[%add3A_490, %dma_start3A_496] : memref<400x64xi32, #tpu.memory_space<vmem>> -> memref<1x64xi32, #tpu.memory_space<vmem>>
      %dma_start3A_498 = tpu.memref_squeeze %dma_start3A_497 : memref<1x64xi32, #tpu.memory_space<vmem>> -> memref<64xi32, #tpu.memory_space<vmem>>
      %dma_start3A_499 = arith.constant 0 : i32
      %dma_start3A_500 = arith.constant 0 : i32
      %dma_start3A_501 = tpu.memref_slice %arg3[%dma_start3A_499, %dma_start3A_500] : memref<100002x128xf32, #tpu.memory_space<hbm>> -> memref<100002x128xf32, #tpu.memory_space<hbm>>
      tpu.enqueue_indirect_dma source(%dma_start3A_501 : memref<100002x128xf32, #tpu.memory_space<hbm>>) target(%dma_start3A_495 : memref<64x128xf32, #tpu.memory_space<vmem>>) offsets(%dma_start3A_498 : memref<64xi32, #tpu.memory_space<vmem>>) semaphore(%arg7 : memref<!tpu.dma_semaphore, #tpu.memory_space<semaphore_mem>>)
      %mul3A_502 = arith.constant 8 : i32
      %mul3A_503 = arith.muli %add3A_441, %mul3A_502 : i32
      %add3A_504 = arith.constant 1 : i32
      %add3A_505 = arith.addi %mul3A_503, %add3A_504 : i32
      %dma_wait3A_506 = arith.constant 1 : i32
      %dma_wait3A_507 = arith.constant 0 : i32
      %dma_wait3A_508 = arith.constant 0 : i32
      %dma_wait3A_509 = tpu.memref_slice %arg6[%dma_wait3A_506, %dma_wait3A_507, %dma_wait3A_508] : memref<8x64x128xf32, #tpu.memory_space<vmem>> -> memref<1x64x128xf32, #tpu.memory_space<vmem>>
      %dma_wait3A_510 = tpu.memref_squeeze %dma_wait3A_509 : memref<1x64x128xf32, #tpu.memory_space<vmem>> -> memref<64x128xf32, #tpu.memory_space<vmem>>
      %dma_wait3A_511 = arith.constant 0 : i32
      %dma_wait3A_512 = tpu.memref_slice %arg5[%add3A_505, %dma_wait3A_511] : memref<400x64xi32, #tpu.memory_space<vmem>> -> memref<1x64xi32, #tpu.memory_space<vmem>>
      %dma_wait3A_513 = tpu.memref_squeeze %dma_wait3A_512 : memref<1x64xi32, #tpu.memory_space<vmem>> -> memref<64xi32, #tpu.memory_space<vmem>>
      %dma_wait3A_514 = arith.constant 0 : i32
      %dma_wait3A_515 = arith.constant 0 : i32
      %dma_wait3A_516 = tpu.memref_slice %arg3[%dma_wait3A_514, %dma_wait3A_515] : memref<100002x128xf32, #tpu.memory_space<hbm>> -> memref<100002x128xf32, #tpu.memory_space<hbm>>
      tpu.wait_indirect_dma semaphore(%arg8 : memref<!tpu.dma_semaphore, #tpu.memory_space<semaphore_mem>>) src(%dma_wait3A_516 : memref<100002x128xf32, #tpu.memory_space<hbm>>) dst(%dma_wait3A_510 : memref<64x128xf32, #tpu.memory_space<vmem>>)
      %mul3A_517 = arith.constant 64 : i32
      %mul3A_518 = arith.muli %add3A_505, %mul3A_517 : i32
      %add3A_519 = arith.addi %mul3A_2, %mul3A_518 : i32
      %dma_start3A_520 = arith.constant 1 : i32
      %dma_start3A_521 = arith.constant 0 : i32
      %dma_start3A_522 = arith.constant 0 : i32
      %dma_start3A_523 = tpu.memref_slice %arg6[%dma_start3A_520, %dma_start3A_521, %dma_start3A_522] : memref<8x64x128xf32, #tpu.memory_space<vmem>> -> memref<1x64x128xf32, #tpu.memory_space<vmem>>
      %dma_start3A_524 = tpu.memref_squeeze %dma_start3A_523 : memref<1x64x128xf32, #tpu.memory_space<vmem>> -> memref<64x128xf32, #tpu.memory_space<vmem>>
      %dma_start3A_525 = arith.constant 0 : i32
      %dma_start3A_526 = tpu.memref_slice %arg4[%add3A_519, %dma_start3A_525] : memref<819200x128xf32, #tpu.memory_space<hbm>> -> memref<64x128xf32, #tpu.memory_space<hbm>>
      %dma_start3A_527 = arith.constant 0 : i32
      %dma_start3A_528 = tpu.memref_slice %arg4[%add3A_519, %dma_start3A_527] : memref<819200x128xf32, #tpu.memory_space<hbm>> -> memref<64x128xf32, #tpu.memory_space<hbm>>
      %dma_start3A_529 = arith.constant 0 : i32
      %dma_start3A_530 = arith.constant 0 : i32
      %dma_start3A_531 = tpu.memref_slice %arg6[%dma_start3A_520, %dma_start3A_529, %dma_start3A_530] : memref<8x64x128xf32, #tpu.memory_space<vmem>> -> memref<1x64x128xf32, #tpu.memory_space<vmem>>
      %dma_start3A_532 = tpu.memref_squeeze %dma_start3A_531 : memref<1x64x128xf32, #tpu.memory_space<vmem>> -> memref<64x128xf32, #tpu.memory_space<vmem>>
      tpu.enqueue_dma source(%dma_start3A_532 : memref<64x128xf32, #tpu.memory_space<vmem>>) target(%dma_start3A_528 : memref<64x128xf32, #tpu.memory_space<hbm>>) target_semaphore(%arg16 : memref<!tpu.dma_semaphore, #tpu.memory_space<semaphore_mem>>)
      %mul3A_533 = arith.constant 64 : i32
      %mul3A_534 = arith.muli %add3A_505, %mul3A_533 : i32
      %add3A_535 = arith.addi %mul3A_2, %mul3A_534 : i32
      %dma_wait3A_536 = arith.constant 1 : i32
      %dma_wait3A_537 = arith.constant 0 : i32
      %dma_wait3A_538 = arith.constant 0 : i32
      %dma_wait3A_539 = tpu.memref_slice %arg6[%dma_wait3A_536, %dma_wait3A_537, %dma_wait3A_538] : memref<8x64x128xf32, #tpu.memory_space<vmem>> -> memref<1x64x128xf32, #tpu.memory_space<vmem>>
      %dma_wait3A_540 = tpu.memref_squeeze %dma_wait3A_539 : memref<1x64x128xf32, #tpu.memory_space<vmem>> -> memref<64x128xf32, #tpu.memory_space<vmem>>
      %dma_wait3A_541 = arith.constant 0 : i32
      %dma_wait3A_542 = tpu.memref_slice %arg4[%add3A_535, %dma_wait3A_541] : memref<819200x128xf32, #tpu.memory_space<hbm>> -> memref<64x128xf32, #tpu.memory_space<hbm>>
      %dma_wait3A_543 = arith.constant 0 : i32
      %dma_wait3A_544 = tpu.memref_slice %arg4[%add3A_535, %dma_wait3A_543] : memref<819200x128xf32, #tpu.memory_space<hbm>> -> memref<64x128xf32, #tpu.memory_space<hbm>>
      %dma_wait3A_545 = arith.constant 0 : i32
      %dma_wait3A_546 = arith.constant 0 : i32
      %dma_wait3A_547 = tpu.memref_slice %arg6[%dma_wait3A_536, %dma_wait3A_545, %dma_wait3A_546] : memref<8x64x128xf32, #tpu.memory_space<vmem>> -> memref<1x64x128xf32, #tpu.memory_space<vmem>>
      %dma_wait3A_548 = tpu.memref_squeeze %dma_wait3A_547 : memref<1x64x128xf32, #tpu.memory_space<vmem>> -> memref<64x128xf32, #tpu.memory_space<vmem>>
      tpu.wait_dma2 semaphore(%arg16 : memref<!tpu.dma_semaphore, #tpu.memory_space<semaphore_mem>>) src(%dma_wait3A_548 : memref<64x128xf32, #tpu.memory_space<vmem>>) dst(%dma_wait3A_544 : memref<64x128xf32, #tpu.memory_space<hbm>>)
      %add3A_549 = arith.constant 8 : i32
      %add3A_550 = arith.addi %add3A_505, %add3A_549 : i32
      %dma_start3A_551 = arith.constant 1 : i32
      %dma_start3A_552 = arith.constant 0 : i32
      %dma_start3A_553 = arith.constant 0 : i32
      %dma_start3A_554 = tpu.memref_slice %arg6[%dma_start3A_551, %dma_start3A_552, %dma_start3A_553] : memref<8x64x128xf32, #tpu.memory_space<vmem>> -> memref<1x64x128xf32, #tpu.memory_space<vmem>>
      %dma_start3A_555 = tpu.memref_squeeze %dma_start3A_554 : memref<1x64x128xf32, #tpu.memory_space<vmem>> -> memref<64x128xf32, #tpu.memory_space<vmem>>
      %dma_start3A_556 = arith.constant 0 : i32
      %dma_start3A_557 = tpu.memref_slice %arg5[%add3A_550, %dma_start3A_556] : memref<400x64xi32, #tpu.memory_space<vmem>> -> memref<1x64xi32, #tpu.memory_space<vmem>>
      %dma_start3A_558 = tpu.memref_squeeze %dma_start3A_557 : memref<1x64xi32, #tpu.memory_space<vmem>> -> memref<64xi32, #tpu.memory_space<vmem>>
      %dma_start3A_559 = arith.constant 0 : i32
      %dma_start3A_560 = arith.constant 0 : i32
      %dma_start3A_561 = tpu.memref_slice %arg3[%dma_start3A_559, %dma_start3A_560] : memref<100002x128xf32, #tpu.memory_space<hbm>> -> memref<100002x128xf32, #tpu.memory_space<hbm>>
      tpu.enqueue_indirect_dma source(%dma_start3A_561 : memref<100002x128xf32, #tpu.memory_space<hbm>>) target(%dma_start3A_555 : memref<64x128xf32, #tpu.memory_space<vmem>>) offsets(%dma_start3A_558 : memref<64xi32, #tpu.memory_space<vmem>>) semaphore(%arg8 : memref<!tpu.dma_semaphore, #tpu.memory_space<semaphore_mem>>)
      %mul3A_562 = arith.constant 8 : i32
      %mul3A_563 = arith.muli %add3A_441, %mul3A_562 : i32
      %add3A_564 = arith.constant 2 : i32
      %add3A_565 = arith.addi %mul3A_563, %add3A_564 : i32
      %dma_wait3A_566 = arith.constant 2 : i32
      %dma_wait3A_567 = arith.constant 0 : i32
      %dma_wait3A_568 = arith.constant 0 : i32
      %dma_wait3A_569 = tpu.memref_slice %arg6[%dma_wait3A_566, %dma_wait3A_567, %dma_wait3A_568] : memref<8x64x128xf32, #tpu.memory_space<vmem>> -> memref<1x64x128xf32, #tpu.memory_space<vmem>>
      %dma_wait3A_570 = tpu.memref_squeeze %dma_wait3A_569 : memref<1x64x128xf32, #tpu.memory_space<vmem>> -> memref<64x128xf32, #tpu.memory_space<vmem>>
      %dma_wait3A_571 = arith.constant 0 : i32
      %dma_wait3A_572 = tpu.memref_slice %arg5[%add3A_565, %dma_wait3A_571] : memref<400x64xi32, #tpu.memory_space<vmem>> -> memref<1x64xi32, #tpu.memory_space<vmem>>
      %dma_wait3A_573 = tpu.memref_squeeze %dma_wait3A_572 : memref<1x64xi32, #tpu.memory_space<vmem>> -> memref<64xi32, #tpu.memory_space<vmem>>
      %dma_wait3A_574 = arith.constant 0 : i32
      %dma_wait3A_575 = arith.constant 0 : i32
      %dma_wait3A_576 = tpu.memref_slice %arg3[%dma_wait3A_574, %dma_wait3A_575] : memref<100002x128xf32, #tpu.memory_space<hbm>> -> memref<100002x128xf32, #tpu.memory_space<hbm>>
      tpu.wait_indirect_dma semaphore(%arg9 : memref<!tpu.dma_semaphore, #tpu.memory_space<semaphore_mem>>) src(%dma_wait3A_576 : memref<100002x128xf32, #tpu.memory_space<hbm>>) dst(%dma_wait3A_570 : memref<64x128xf32, #tpu.memory_space<vmem>>)
      %mul3A_577 = arith.constant 64 : i32
      %mul3A_578 = arith.muli %add3A_565, %mul3A_577 : i32
      %add3A_579 = arith.addi %mul3A_2, %mul3A_578 : i32
      %dma_start3A_580 = arith.constant 2 : i32
      %dma_start3A_581 = arith.constant 0 : i32
      %dma_start3A_582 = arith.constant 0 : i32
      %dma_start3A_583 = tpu.memref_slice %arg6[%dma_start3A_580, %dma_start3A_581, %dma_start3A_582] : memref<8x64x128xf32, #tpu.memory_space<vmem>> -> memref<1x64x128xf32, #tpu.memory_space<vmem>>
      %dma_start3A_584 = tpu.memref_squeeze %dma_start3A_583 : memref<1x64x128xf32, #tpu.memory_space<vmem>> -> memref<64x128xf32, #tpu.memory_space<vmem>>
      %dma_start3A_585 = arith.constant 0 : i32
      %dma_start3A_586 = tpu.memref_slice %arg4[%add3A_579, %dma_start3A_585] : memref<819200x128xf32, #tpu.memory_space<hbm>> -> memref<64x128xf32, #tpu.memory_space<hbm>>
      %dma_start3A_587 = arith.constant 0 : i32
      %dma_start3A_588 = tpu.memref_slice %arg4[%add3A_579, %dma_start3A_587] : memref<819200x128xf32, #tpu.memory_space<hbm>> -> memref<64x128xf32, #tpu.memory_space<hbm>>
      %dma_start3A_589 = arith.constant 0 : i32
      %dma_start3A_590 = arith.constant 0 : i32
      %dma_start3A_591 = tpu.memref_slice %arg6[%dma_start3A_580, %dma_start3A_589, %dma_start3A_590] : memref<8x64x128xf32, #tpu.memory_space<vmem>> -> memref<1x64x128xf32, #tpu.memory_space<vmem>>
      %dma_start3A_592 = tpu.memref_squeeze %dma_start3A_591 : memref<1x64x128xf32, #tpu.memory_space<vmem>> -> memref<64x128xf32, #tpu.memory_space<vmem>>
      tpu.enqueue_dma source(%dma_start3A_592 : memref<64x128xf32, #tpu.memory_space<vmem>>) target(%dma_start3A_588 : memref<64x128xf32, #tpu.memory_space<hbm>>) target_semaphore(%arg17 : memref<!tpu.dma_semaphore, #tpu.memory_space<semaphore_mem>>)
      %mul3A_593 = arith.constant 64 : i32
      %mul3A_594 = arith.muli %add3A_565, %mul3A_593 : i32
      %add3A_595 = arith.addi %mul3A_2, %mul3A_594 : i32
      %dma_wait3A_596 = arith.constant 2 : i32
      %dma_wait3A_597 = arith.constant 0 : i32
      %dma_wait3A_598 = arith.constant 0 : i32
      %dma_wait3A_599 = tpu.memref_slice %arg6[%dma_wait3A_596, %dma_wait3A_597, %dma_wait3A_598] : memref<8x64x128xf32, #tpu.memory_space<vmem>> -> memref<1x64x128xf32, #tpu.memory_space<vmem>>
      %dma_wait3A_600 = tpu.memref_squeeze %dma_wait3A_599 : memref<1x64x128xf32, #tpu.memory_space<vmem>> -> memref<64x128xf32, #tpu.memory_space<vmem>>
      %dma_wait3A_601 = arith.constant 0 : i32
      %dma_wait3A_602 = tpu.memref_slice %arg4[%add3A_595, %dma_wait3A_601] : memref<819200x128xf32, #tpu.memory_space<hbm>> -> memref<64x128xf32, #tpu.memory_space<hbm>>
      %dma_wait3A_603 = arith.constant 0 : i32
      %dma_wait3A_604 = tpu.memref_slice %arg4[%add3A_595, %dma_wait3A_603] : memref<819200x128xf32, #tpu.memory_space<hbm>> -> memref<64x128xf32, #tpu.memory_space<hbm>>
      %dma_wait3A_605 = arith.constant 0 : i32
      %dma_wait3A_606 = arith.constant 0 : i32
      %dma_wait3A_607 = tpu.memref_slice %arg6[%dma_wait3A_596, %dma_wait3A_605, %dma_wait3A_606] : memref<8x64x128xf32, #tpu.memory_space<vmem>> -> memref<1x64x128xf32, #tpu.memory_space<vmem>>
      %dma_wait3A_608 = tpu.memref_squeeze %dma_wait3A_607 : memref<1x64x128xf32, #tpu.memory_space<vmem>> -> memref<64x128xf32, #tpu.memory_space<vmem>>
      tpu.wait_dma2 semaphore(%arg17 : memref<!tpu.dma_semaphore, #tpu.memory_space<semaphore_mem>>) src(%dma_wait3A_608 : memref<64x128xf32, #tpu.memory_space<vmem>>) dst(%dma_wait3A_604 : memref<64x128xf32, #tpu.memory_space<hbm>>)
      %add3A_609 = arith.constant 8 : i32
      %add3A_610 = arith.addi %add3A_565, %add3A_609 : i32
      %dma_start3A_611 = arith.constant 2 : i32
      %dma_start3A_612 = arith.constant 0 : i32
      %dma_start3A_613 = arith.constant 0 : i32
      %dma_start3A_614 = tpu.memref_slice %arg6[%dma_start3A_611, %dma_start3A_612, %dma_start3A_613] : memref<8x64x128xf32, #tpu.memory_space<vmem>> -> memref<1x64x128xf32, #tpu.memory_space<vmem>>
      %dma_start3A_615 = tpu.memref_squeeze %dma_start3A_614 : memref<1x64x128xf32, #tpu.memory_space<vmem>> -> memref<64x128xf32, #tpu.memory_space<vmem>>
      %dma_start3A_616 = arith.constant 0 : i32
      %dma_start3A_617 = tpu.memref_slice %arg5[%add3A_610, %dma_start3A_616] : memref<400x64xi32, #tpu.memory_space<vmem>> -> memref<1x64xi32, #tpu.memory_space<vmem>>
      %dma_start3A_618 = tpu.memref_squeeze %dma_start3A_617 : memref<1x64xi32, #tpu.memory_space<vmem>> -> memref<64xi32, #tpu.memory_space<vmem>>
      %dma_start3A_619 = arith.constant 0 : i32
      %dma_start3A_620 = arith.constant 0 : i32
      %dma_start3A_621 = tpu.memref_slice %arg3[%dma_start3A_619, %dma_start3A_620] : memref<100002x128xf32, #tpu.memory_space<hbm>> -> memref<100002x128xf32, #tpu.memory_space<hbm>>
      tpu.enqueue_indirect_dma source(%dma_start3A_621 : memref<100002x128xf32, #tpu.memory_space<hbm>>) target(%dma_start3A_615 : memref<64x128xf32, #tpu.memory_space<vmem>>) offsets(%dma_start3A_618 : memref<64xi32, #tpu.memory_space<vmem>>) semaphore(%arg9 : memref<!tpu.dma_semaphore, #tpu.memory_space<semaphore_mem>>)
      %mul3A_622 = arith.constant 8 : i32
      %mul3A_623 = arith.muli %add3A_441, %mul3A_622 : i32
      %add3A_624 = arith.constant 3 : i32
      %add3A_625 = arith.addi %mul3A_623, %add3A_624 : i32
      %dma_wait3A_626 = arith.constant 3 : i32
      %dma_wait3A_627 = arith.constant 0 : i32
      %dma_wait3A_628 = arith.constant 0 : i32
      %dma_wait3A_629 = tpu.memref_slice %arg6[%dma_wait3A_626, %dma_wait3A_627, %dma_wait3A_628] : memref<8x64x128xf32, #tpu.memory_space<vmem>> -> memref<1x64x128xf32, #tpu.memory_space<vmem>>
      %dma_wait3A_630 = tpu.memref_squeeze %dma_wait3A_629 : memref<1x64x128xf32, #tpu.memory_space<vmem>> -> memref<64x128xf32, #tpu.memory_space<vmem>>
      %dma_wait3A_631 = arith.constant 0 : i32
      %dma_wait3A_632 = tpu.memref_slice %arg5[%add3A_625, %dma_wait3A_631] : memref<400x64xi32, #tpu.memory_space<vmem>> -> memref<1x64xi32, #tpu.memory_space<vmem>>
      %dma_wait3A_633 = tpu.memref_squeeze %dma_wait3A_632 : memref<1x64xi32, #tpu.memory_space<vmem>> -> memref<64xi32, #tpu.memory_space<vmem>>
      %dma_wait3A_634 = arith.constant 0 : i32
      %dma_wait3A_635 = arith.constant 0 : i32
      %dma_wait3A_636 = tpu.memref_slice %arg3[%dma_wait3A_634, %dma_wait3A_635] : memref<100002x128xf32, #tpu.memory_space<hbm>> -> memref<100002x128xf32, #tpu.memory_space<hbm>>
      tpu.wait_indirect_dma semaphore(%arg10 : memref<!tpu.dma_semaphore, #tpu.memory_space<semaphore_mem>>) src(%dma_wait3A_636 : memref<100002x128xf32, #tpu.memory_space<hbm>>) dst(%dma_wait3A_630 : memref<64x128xf32, #tpu.memory_space<vmem>>)
      %mul3A_637 = arith.constant 64 : i32
      %mul3A_638 = arith.muli %add3A_625, %mul3A_637 : i32
      %add3A_639 = arith.addi %mul3A_2, %mul3A_638 : i32
      %dma_start3A_640 = arith.constant 3 : i32
      %dma_start3A_641 = arith.constant 0 : i32
      %dma_start3A_642 = arith.constant 0 : i32
      %dma_start3A_643 = tpu.memref_slice %arg6[%dma_start3A_640, %dma_start3A_641, %dma_start3A_642] : memref<8x64x128xf32, #tpu.memory_space<vmem>> -> memref<1x64x128xf32, #tpu.memory_space<vmem>>
      %dma_start3A_644 = tpu.memref_squeeze %dma_start3A_643 : memref<1x64x128xf32, #tpu.memory_space<vmem>> -> memref<64x128xf32, #tpu.memory_space<vmem>>
      %dma_start3A_645 = arith.constant 0 : i32
      %dma_start3A_646 = tpu.memref_slice %arg4[%add3A_639, %dma_start3A_645] : memref<819200x128xf32, #tpu.memory_space<hbm>> -> memref<64x128xf32, #tpu.memory_space<hbm>>
      %dma_start3A_647 = arith.constant 0 : i32
      %dma_start3A_648 = tpu.memref_slice %arg4[%add3A_639, %dma_start3A_647] : memref<819200x128xf32, #tpu.memory_space<hbm>> -> memref<64x128xf32, #tpu.memory_space<hbm>>
      %dma_start3A_649 = arith.constant 0 : i32
      %dma_start3A_650 = arith.constant 0 : i32
      %dma_start3A_651 = tpu.memref_slice %arg6[%dma_start3A_640, %dma_start3A_649, %dma_start3A_650] : memref<8x64x128xf32, #tpu.memory_space<vmem>> -> memref<1x64x128xf32, #tpu.memory_space<vmem>>
      %dma_start3A_652 = tpu.memref_squeeze %dma_start3A_651 : memref<1x64x128xf32, #tpu.memory_space<vmem>> -> memref<64x128xf32, #tpu.memory_space<vmem>>
      tpu.enqueue_dma source(%dma_start3A_652 : memref<64x128xf32, #tpu.memory_space<vmem>>) target(%dma_start3A_648 : memref<64x128xf32, #tpu.memory_space<hbm>>) target_semaphore(%arg18 : memref<!tpu.dma_semaphore, #tpu.memory_space<semaphore_mem>>)
      %mul3A_653 = arith.constant 64 : i32
      %mul3A_654 = arith.muli %add3A_625, %mul3A_653 : i32
      %add3A_655 = arith.addi %mul3A_2, %mul3A_654 : i32
      %dma_wait3A_656 = arith.constant 3 : i32
      %dma_wait3A_657 = arith.constant 0 : i32
      %dma_wait3A_658 = arith.constant 0 : i32
      %dma_wait3A_659 = tpu.memref_slice %arg6[%dma_wait3A_656, %dma_wait3A_657, %dma_wait3A_658] : memref<8x64x128xf32, #tpu.memory_space<vmem>> -> memref<1x64x128xf32, #tpu.memory_space<vmem>>
      %dma_wait3A_660 = tpu.memref_squeeze %dma_wait3A_659 : memref<1x64x128xf32, #tpu.memory_space<vmem>> -> memref<64x128xf32, #tpu.memory_space<vmem>>
      %dma_wait3A_661 = arith.constant 0 : i32
      %dma_wait3A_662 = tpu.memref_slice %arg4[%add3A_655, %dma_wait3A_661] : memref<819200x128xf32, #tpu.memory_space<hbm>> -> memref<64x128xf32, #tpu.memory_space<hbm>>
      %dma_wait3A_663 = arith.constant 0 : i32
      %dma_wait3A_664 = tpu.memref_slice %arg4[%add3A_655, %dma_wait3A_663] : memref<819200x128xf32, #tpu.memory_space<hbm>> -> memref<64x128xf32, #tpu.memory_space<hbm>>
      %dma_wait3A_665 = arith.constant 0 : i32
      %dma_wait3A_666 = arith.constant 0 : i32
      %dma_wait3A_667 = tpu.memref_slice %arg6[%dma_wait3A_656, %dma_wait3A_665, %dma_wait3A_666] : memref<8x64x128xf32, #tpu.memory_space<vmem>> -> memref<1x64x128xf32, #tpu.memory_space<vmem>>
      %dma_wait3A_668 = tpu.memref_squeeze %dma_wait3A_667 : memref<1x64x128xf32, #tpu.memory_space<vmem>> -> memref<64x128xf32, #tpu.memory_space<vmem>>
      tpu.wait_dma2 semaphore(%arg18 : memref<!tpu.dma_semaphore, #tpu.memory_space<semaphore_mem>>) src(%dma_wait3A_668 : memref<64x128xf32, #tpu.memory_space<vmem>>) dst(%dma_wait3A_664 : memref<64x128xf32, #tpu.memory_space<hbm>>)
      %add3A_669 = arith.constant 8 : i32
      %add3A_670 = arith.addi %add3A_625, %add3A_669 : i32
      %dma_start3A_671 = arith.constant 3 : i32
      %dma_start3A_672 = arith.constant 0 : i32
      %dma_start3A_673 = arith.constant 0 : i32
      %dma_start3A_674 = tpu.memref_slice %arg6[%dma_start3A_671, %dma_start3A_672, %dma_start3A_673] : memref<8x64x128xf32, #tpu.memory_space<vmem>> -> memref<1x64x128xf32, #tpu.memory_space<vmem>>
      %dma_start3A_675 = tpu.memref_squeeze %dma_start3A_674 : memref<1x64x128xf32, #tpu.memory_space<vmem>> -> memref<64x128xf32, #tpu.memory_space<vmem>>
      %dma_start3A_676 = arith.constant 0 : i32
      %dma_start3A_677 = tpu.memref_slice %arg5[%add3A_670, %dma_start3A_676] : memref<400x64xi32, #tpu.memory_space<vmem>> -> memref<1x64xi32, #tpu.memory_space<vmem>>
      %dma_start3A_678 = tpu.memref_squeeze %dma_start3A_677 : memref<1x64xi32, #tpu.memory_space<vmem>> -> memref<64xi32, #tpu.memory_space<vmem>>
      %dma_start3A_679 = arith.constant 0 : i32
      %dma_start3A_680 = arith.constant 0 : i32
      %dma_start3A_681 = tpu.memref_slice %arg3[%dma_start3A_679, %dma_start3A_680] : memref<100002x128xf32, #tpu.memory_space<hbm>> -> memref<100002x128xf32, #tpu.memory_space<hbm>>
      tpu.enqueue_indirect_dma source(%dma_start3A_681 : memref<100002x128xf32, #tpu.memory_space<hbm>>) target(%dma_start3A_675 : memref<64x128xf32, #tpu.memory_space<vmem>>) offsets(%dma_start3A_678 : memref<64xi32, #tpu.memory_space<vmem>>) semaphore(%arg10 : memref<!tpu.dma_semaphore, #tpu.memory_space<semaphore_mem>>)
      %mul3A_682 = arith.constant 8 : i32
      %mul3A_683 = arith.muli %add3A_441, %mul3A_682 : i32
      %add3A_684 = arith.constant 4 : i32
      %add3A_685 = arith.addi %mul3A_683, %add3A_684 : i32
      %dma_wait3A_686 = arith.constant 4 : i32
      %dma_wait3A_687 = arith.constant 0 : i32
      %dma_wait3A_688 = arith.constant 0 : i32
      %dma_wait3A_689 = tpu.memref_slice %arg6[%dma_wait3A_686, %dma_wait3A_687, %dma_wait3A_688] : memref<8x64x128xf32, #tpu.memory_space<vmem>> -> memref<1x64x128xf32, #tpu.memory_space<vmem>>
      %dma_wait3A_690 = tpu.memref_squeeze %dma_wait3A_689 : memref<1x64x128xf32, #tpu.memory_space<vmem>> -> memref<64x128xf32, #tpu.memory_space<vmem>>
      %dma_wait3A_691 = arith.constant 0 : i32
      %dma_wait3A_692 = tpu.memref_slice %arg5[%add3A_685, %dma_wait3A_691] : memref<400x64xi32, #tpu.memory_space<vmem>> -> memref<1x64xi32, #tpu.memory_space<vmem>>
      %dma_wait3A_693 = tpu.memref_squeeze %dma_wait3A_692 : memref<1x64xi32, #tpu.memory_space<vmem>> -> memref<64xi32, #tpu.memory_space<vmem>>
      %dma_wait3A_694 = arith.constant 0 : i32
      %dma_wait3A_695 = arith.constant 0 : i32
      %dma_wait3A_696 = tpu.memref_slice %arg3[%dma_wait3A_694, %dma_wait3A_695] : memref<100002x128xf32, #tpu.memory_space<hbm>> -> memref<100002x128xf32, #tpu.memory_space<hbm>>
      tpu.wait_indirect_dma semaphore(%arg11 : memref<!tpu.dma_semaphore, #tpu.memory_space<semaphore_mem>>) src(%dma_wait3A_696 : memref<100002x128xf32, #tpu.memory_space<hbm>>) dst(%dma_wait3A_690 : memref<64x128xf32, #tpu.memory_space<vmem>>)
      %mul3A_697 = arith.constant 64 : i32
      %mul3A_698 = arith.muli %add3A_685, %mul3A_697 : i32
      %add3A_699 = arith.addi %mul3A_2, %mul3A_698 : i32
      %dma_start3A_700 = arith.constant 4 : i32
      %dma_start3A_701 = arith.constant 0 : i32
      %dma_start3A_702 = arith.constant 0 : i32
      %dma_start3A_703 = tpu.memref_slice %arg6[%dma_start3A_700, %dma_start3A_701, %dma_start3A_702] : memref<8x64x128xf32, #tpu.memory_space<vmem>> -> memref<1x64x128xf32, #tpu.memory_space<vmem>>
      %dma_start3A_704 = tpu.memref_squeeze %dma_start3A_703 : memref<1x64x128xf32, #tpu.memory_space<vmem>> -> memref<64x128xf32, #tpu.memory_space<vmem>>
      %dma_start3A_705 = arith.constant 0 : i32
      %dma_start3A_706 = tpu.memref_slice %arg4[%add3A_699, %dma_start3A_705] : memref<819200x128xf32, #tpu.memory_space<hbm>> -> memref<64x128xf32, #tpu.memory_space<hbm>>
      %dma_start3A_707 = arith.constant 0 : i32
      %dma_start3A_708 = tpu.memref_slice %arg4[%add3A_699, %dma_start3A_707] : memref<819200x128xf32, #tpu.memory_space<hbm>> -> memref<64x128xf32, #tpu.memory_space<hbm>>
      %dma_start3A_709 = arith.constant 0 : i32
      %dma_start3A_710 = arith.constant 0 : i32
      %dma_start3A_711 = tpu.memref_slice %arg6[%dma_start3A_700, %dma_start3A_709, %dma_start3A_710] : memref<8x64x128xf32, #tpu.memory_space<vmem>> -> memref<1x64x128xf32, #tpu.memory_space<vmem>>
      %dma_start3A_712 = tpu.memref_squeeze %dma_start3A_711 : memref<1x64x128xf32, #tpu.memory_space<vmem>> -> memref<64x128xf32, #tpu.memory_space<vmem>>
      tpu.enqueue_dma source(%dma_start3A_712 : memref<64x128xf32, #tpu.memory_space<vmem>>) target(%dma_start3A_708 : memref<64x128xf32, #tpu.memory_space<hbm>>) target_semaphore(%arg19 : memref<!tpu.dma_semaphore, #tpu.memory_space<semaphore_mem>>)
      %mul3A_713 = arith.constant 64 : i32
      %mul3A_714 = arith.muli %add3A_685, %mul3A_713 : i32
      %add3A_715 = arith.addi %mul3A_2, %mul3A_714 : i32
      %dma_wait3A_716 = arith.constant 4 : i32
      %dma_wait3A_717 = arith.constant 0 : i32
      %dma_wait3A_718 = arith.constant 0 : i32
      %dma_wait3A_719 = tpu.memref_slice %arg6[%dma_wait3A_716, %dma_wait3A_717, %dma_wait3A_718] : memref<8x64x128xf32, #tpu.memory_space<vmem>> -> memref<1x64x128xf32, #tpu.memory_space<vmem>>
      %dma_wait3A_720 = tpu.memref_squeeze %dma_wait3A_719 : memref<1x64x128xf32, #tpu.memory_space<vmem>> -> memref<64x128xf32, #tpu.memory_space<vmem>>
      %dma_wait3A_721 = arith.constant 0 : i32
      %dma_wait3A_722 = tpu.memref_slice %arg4[%add3A_715, %dma_wait3A_721] : memref<819200x128xf32, #tpu.memory_space<hbm>> -> memref<64x128xf32, #tpu.memory_space<hbm>>
      %dma_wait3A_723 = arith.constant 0 : i32
      %dma_wait3A_724 = tpu.memref_slice %arg4[%add3A_715, %dma_wait3A_723] : memref<819200x128xf32, #tpu.memory_space<hbm>> -> memref<64x128xf32, #tpu.memory_space<hbm>>
      %dma_wait3A_725 = arith.constant 0 : i32
      %dma_wait3A_726 = arith.constant 0 : i32
      %dma_wait3A_727 = tpu.memref_slice %arg6[%dma_wait3A_716, %dma_wait3A_725, %dma_wait3A_726] : memref<8x64x128xf32, #tpu.memory_space<vmem>> -> memref<1x64x128xf32, #tpu.memory_space<vmem>>
      %dma_wait3A_728 = tpu.memref_squeeze %dma_wait3A_727 : memref<1x64x128xf32, #tpu.memory_space<vmem>> -> memref<64x128xf32, #tpu.memory_space<vmem>>
      tpu.wait_dma2 semaphore(%arg19 : memref<!tpu.dma_semaphore, #tpu.memory_space<semaphore_mem>>) src(%dma_wait3A_728 : memref<64x128xf32, #tpu.memory_space<vmem>>) dst(%dma_wait3A_724 : memref<64x128xf32, #tpu.memory_space<hbm>>)
      %add3A_729 = arith.constant 8 : i32
      %add3A_730 = arith.addi %add3A_685, %add3A_729 : i32
      %dma_start3A_731 = arith.constant 4 : i32
      %dma_start3A_732 = arith.constant 0 : i32
      %dma_start3A_733 = arith.constant 0 : i32
      %dma_start3A_734 = tpu.memref_slice %arg6[%dma_start3A_731, %dma_start3A_732, %dma_start3A_733] : memref<8x64x128xf32, #tpu.memory_space<vmem>> -> memref<1x64x128xf32, #tpu.memory_space<vmem>>
      %dma_start3A_735 = tpu.memref_squeeze %dma_start3A_734 : memref<1x64x128xf32, #tpu.memory_space<vmem>> -> memref<64x128xf32, #tpu.memory_space<vmem>>
      %dma_start3A_736 = arith.constant 0 : i32
      %dma_start3A_737 = tpu.memref_slice %arg5[%add3A_730, %dma_start3A_736] : memref<400x64xi32, #tpu.memory_space<vmem>> -> memref<1x64xi32, #tpu.memory_space<vmem>>
      %dma_start3A_738 = tpu.memref_squeeze %dma_start3A_737 : memref<1x64xi32, #tpu.memory_space<vmem>> -> memref<64xi32, #tpu.memory_space<vmem>>
      %dma_start3A_739 = arith.constant 0 : i32
      %dma_start3A_740 = arith.constant 0 : i32
      %dma_start3A_741 = tpu.memref_slice %arg3[%dma_start3A_739, %dma_start3A_740] : memref<100002x128xf32, #tpu.memory_space<hbm>> -> memref<100002x128xf32, #tpu.memory_space<hbm>>
      tpu.enqueue_indirect_dma source(%dma_start3A_741 : memref<100002x128xf32, #tpu.memory_space<hbm>>) target(%dma_start3A_735 : memref<64x128xf32, #tpu.memory_space<vmem>>) offsets(%dma_start3A_738 : memref<64xi32, #tpu.memory_space<vmem>>) semaphore(%arg11 : memref<!tpu.dma_semaphore, #tpu.memory_space<semaphore_mem>>)
      %mul3A_742 = arith.constant 8 : i32
      %mul3A_743 = arith.muli %add3A_441, %mul3A_742 : i32
      %add3A_744 = arith.constant 5 : i32
      %add3A_745 = arith.addi %mul3A_743, %add3A_744 : i32
      %dma_wait3A_746 = arith.constant 5 : i32
      %dma_wait3A_747 = arith.constant 0 : i32
      %dma_wait3A_748 = arith.constant 0 : i32
      %dma_wait3A_749 = tpu.memref_slice %arg6[%dma_wait3A_746, %dma_wait3A_747, %dma_wait3A_748] : memref<8x64x128xf32, #tpu.memory_space<vmem>> -> memref<1x64x128xf32, #tpu.memory_space<vmem>>
      %dma_wait3A_750 = tpu.memref_squeeze %dma_wait3A_749 : memref<1x64x128xf32, #tpu.memory_space<vmem>> -> memref<64x128xf32, #tpu.memory_space<vmem>>
      %dma_wait3A_751 = arith.constant 0 : i32
      %dma_wait3A_752 = tpu.memref_slice %arg5[%add3A_745, %dma_wait3A_751] : memref<400x64xi32, #tpu.memory_space<vmem>> -> memref<1x64xi32, #tpu.memory_space<vmem>>
      %dma_wait3A_753 = tpu.memref_squeeze %dma_wait3A_752 : memref<1x64xi32, #tpu.memory_space<vmem>> -> memref<64xi32, #tpu.memory_space<vmem>>
      %dma_wait3A_754 = arith.constant 0 : i32
      %dma_wait3A_755 = arith.constant 0 : i32
      %dma_wait3A_756 = tpu.memref_slice %arg3[%dma_wait3A_754, %dma_wait3A_755] : memref<100002x128xf32, #tpu.memory_space<hbm>> -> memref<100002x128xf32, #tpu.memory_space<hbm>>
      tpu.wait_indirect_dma semaphore(%arg12 : memref<!tpu.dma_semaphore, #tpu.memory_space<semaphore_mem>>) src(%dma_wait3A_756 : memref<100002x128xf32, #tpu.memory_space<hbm>>) dst(%dma_wait3A_750 : memref<64x128xf32, #tpu.memory_space<vmem>>)
      %mul3A_757 = arith.constant 64 : i32
      %mul3A_758 = arith.muli %add3A_745, %mul3A_757 : i32
      %add3A_759 = arith.addi %mul3A_2, %mul3A_758 : i32
      %dma_start3A_760 = arith.constant 5 : i32
      %dma_start3A_761 = arith.constant 0 : i32
      %dma_start3A_762 = arith.constant 0 : i32
      %dma_start3A_763 = tpu.memref_slice %arg6[%dma_start3A_760, %dma_start3A_761, %dma_start3A_762] : memref<8x64x128xf32, #tpu.memory_space<vmem>> -> memref<1x64x128xf32, #tpu.memory_space<vmem>>
      %dma_start3A_764 = tpu.memref_squeeze %dma_start3A_763 : memref<1x64x128xf32, #tpu.memory_space<vmem>> -> memref<64x128xf32, #tpu.memory_space<vmem>>
      %dma_start3A_765 = arith.constant 0 : i32
      %dma_start3A_766 = tpu.memref_slice %arg4[%add3A_759, %dma_start3A_765] : memref<819200x128xf32, #tpu.memory_space<hbm>> -> memref<64x128xf32, #tpu.memory_space<hbm>>
      %dma_start3A_767 = arith.constant 0 : i32
      %dma_start3A_768 = tpu.memref_slice %arg4[%add3A_759, %dma_start3A_767] : memref<819200x128xf32, #tpu.memory_space<hbm>> -> memref<64x128xf32, #tpu.memory_space<hbm>>
      %dma_start3A_769 = arith.constant 0 : i32
      %dma_start3A_770 = arith.constant 0 : i32
      %dma_start3A_771 = tpu.memref_slice %arg6[%dma_start3A_760, %dma_start3A_769, %dma_start3A_770] : memref<8x64x128xf32, #tpu.memory_space<vmem>> -> memref<1x64x128xf32, #tpu.memory_space<vmem>>
      %dma_start3A_772 = tpu.memref_squeeze %dma_start3A_771 : memref<1x64x128xf32, #tpu.memory_space<vmem>> -> memref<64x128xf32, #tpu.memory_space<vmem>>
      tpu.enqueue_dma source(%dma_start3A_772 : memref<64x128xf32, #tpu.memory_space<vmem>>) target(%dma_start3A_768 : memref<64x128xf32, #tpu.memory_space<hbm>>) target_semaphore(%arg20 : memref<!tpu.dma_semaphore, #tpu.memory_space<semaphore_mem>>)
      %mul3A_773 = arith.constant 64 : i32
      %mul3A_774 = arith.muli %add3A_745, %mul3A_773 : i32
      %add3A_775 = arith.addi %mul3A_2, %mul3A_774 : i32
      %dma_wait3A_776 = arith.constant 5 : i32
      %dma_wait3A_777 = arith.constant 0 : i32
      %dma_wait3A_778 = arith.constant 0 : i32
      %dma_wait3A_779 = tpu.memref_slice %arg6[%dma_wait3A_776, %dma_wait3A_777, %dma_wait3A_778] : memref<8x64x128xf32, #tpu.memory_space<vmem>> -> memref<1x64x128xf32, #tpu.memory_space<vmem>>
      %dma_wait3A_780 = tpu.memref_squeeze %dma_wait3A_779 : memref<1x64x128xf32, #tpu.memory_space<vmem>> -> memref<64x128xf32, #tpu.memory_space<vmem>>
      %dma_wait3A_781 = arith.constant 0 : i32
      %dma_wait3A_782 = tpu.memref_slice %arg4[%add3A_775, %dma_wait3A_781] : memref<819200x128xf32, #tpu.memory_space<hbm>> -> memref<64x128xf32, #tpu.memory_space<hbm>>
      %dma_wait3A_783 = arith.constant 0 : i32
      %dma_wait3A_784 = tpu.memref_slice %arg4[%add3A_775, %dma_wait3A_783] : memref<819200x128xf32, #tpu.memory_space<hbm>> -> memref<64x128xf32, #tpu.memory_space<hbm>>
      %dma_wait3A_785 = arith.constant 0 : i32
      %dma_wait3A_786 = arith.constant 0 : i32
      %dma_wait3A_787 = tpu.memref_slice %arg6[%dma_wait3A_776, %dma_wait3A_785, %dma_wait3A_786] : memref<8x64x128xf32, #tpu.memory_space<vmem>> -> memref<1x64x128xf32, #tpu.memory_space<vmem>>
      %dma_wait3A_788 = tpu.memref_squeeze %dma_wait3A_787 : memref<1x64x128xf32, #tpu.memory_space<vmem>> -> memref<64x128xf32, #tpu.memory_space<vmem>>
      tpu.wait_dma2 semaphore(%arg20 : memref<!tpu.dma_semaphore, #tpu.memory_space<semaphore_mem>>) src(%dma_wait3A_788 : memref<64x128xf32, #tpu.memory_space<vmem>>) dst(%dma_wait3A_784 : memref<64x128xf32, #tpu.memory_space<hbm>>)
      %add3A_789 = arith.constant 8 : i32
      %add3A_790 = arith.addi %add3A_745, %add3A_789 : i32
      %dma_start3A_791 = arith.constant 5 : i32
      %dma_start3A_792 = arith.constant 0 : i32
      %dma_start3A_793 = arith.constant 0 : i32
      %dma_start3A_794 = tpu.memref_slice %arg6[%dma_start3A_791, %dma_start3A_792, %dma_start3A_793] : memref<8x64x128xf32, #tpu.memory_space<vmem>> -> memref<1x64x128xf32, #tpu.memory_space<vmem>>
      %dma_start3A_795 = tpu.memref_squeeze %dma_start3A_794 : memref<1x64x128xf32, #tpu.memory_space<vmem>> -> memref<64x128xf32, #tpu.memory_space<vmem>>
      %dma_start3A_796 = arith.constant 0 : i32
      %dma_start3A_797 = tpu.memref_slice %arg5[%add3A_790, %dma_start3A_796] : memref<400x64xi32, #tpu.memory_space<vmem>> -> memref<1x64xi32, #tpu.memory_space<vmem>>
      %dma_start3A_798 = tpu.memref_squeeze %dma_start3A_797 : memref<1x64xi32, #tpu.memory_space<vmem>> -> memref<64xi32, #tpu.memory_space<vmem>>
      %dma_start3A_799 = arith.constant 0 : i32
      %dma_start3A_800 = arith.constant 0 : i32
      %dma_start3A_801 = tpu.memref_slice %arg3[%dma_start3A_799, %dma_start3A_800] : memref<100002x128xf32, #tpu.memory_space<hbm>> -> memref<100002x128xf32, #tpu.memory_space<hbm>>
      tpu.enqueue_indirect_dma source(%dma_start3A_801 : memref<100002x128xf32, #tpu.memory_space<hbm>>) target(%dma_start3A_795 : memref<64x128xf32, #tpu.memory_space<vmem>>) offsets(%dma_start3A_798 : memref<64xi32, #tpu.memory_space<vmem>>) semaphore(%arg12 : memref<!tpu.dma_semaphore, #tpu.memory_space<semaphore_mem>>)
      %mul3A_802 = arith.constant 8 : i32
      %mul3A_803 = arith.muli %add3A_441, %mul3A_802 : i32
      %add3A_804 = arith.constant 6 : i32
      %add3A_805 = arith.addi %mul3A_803, %add3A_804 : i32
      %dma_wait3A_806 = arith.constant 6 : i32
      %dma_wait3A_807 = arith.constant 0 : i32
      %dma_wait3A_808 = arith.constant 0 : i32
      %dma_wait3A_809 = tpu.memref_slice %arg6[%dma_wait3A_806, %dma_wait3A_807, %dma_wait3A_808] : memref<8x64x128xf32, #tpu.memory_space<vmem>> -> memref<1x64x128xf32, #tpu.memory_space<vmem>>
      %dma_wait3A_810 = tpu.memref_squeeze %dma_wait3A_809 : memref<1x64x128xf32, #tpu.memory_space<vmem>> -> memref<64x128xf32, #tpu.memory_space<vmem>>
      %dma_wait3A_811 = arith.constant 0 : i32
      %dma_wait3A_812 = tpu.memref_slice %arg5[%add3A_805, %dma_wait3A_811] : memref<400x64xi32, #tpu.memory_space<vmem>> -> memref<1x64xi32, #tpu.memory_space<vmem>>
      %dma_wait3A_813 = tpu.memref_squeeze %dma_wait3A_812 : memref<1x64xi32, #tpu.memory_space<vmem>> -> memref<64xi32, #tpu.memory_space<vmem>>
      %dma_wait3A_814 = arith.constant 0 : i32
      %dma_wait3A_815 = arith.constant 0 : i32
      %dma_wait3A_816 = tpu.memref_slice %arg3[%dma_wait3A_814, %dma_wait3A_815] : memref<100002x128xf32, #tpu.memory_space<hbm>> -> memref<100002x128xf32, #tpu.memory_space<hbm>>
      tpu.wait_indirect_dma semaphore(%arg13 : memref<!tpu.dma_semaphore, #tpu.memory_space<semaphore_mem>>) src(%dma_wait3A_816 : memref<100002x128xf32, #tpu.memory_space<hbm>>) dst(%dma_wait3A_810 : memref<64x128xf32, #tpu.memory_space<vmem>>)
      %mul3A_817 = arith.constant 64 : i32
      %mul3A_818 = arith.muli %add3A_805, %mul3A_817 : i32
      %add3A_819 = arith.addi %mul3A_2, %mul3A_818 : i32
      %dma_start3A_820 = arith.constant 6 : i32
      %dma_start3A_821 = arith.constant 0 : i32
      %dma_start3A_822 = arith.constant 0 : i32
      %dma_start3A_823 = tpu.memref_slice %arg6[%dma_start3A_820, %dma_start3A_821, %dma_start3A_822] : memref<8x64x128xf32, #tpu.memory_space<vmem>> -> memref<1x64x128xf32, #tpu.memory_space<vmem>>
      %dma_start3A_824 = tpu.memref_squeeze %dma_start3A_823 : memref<1x64x128xf32, #tpu.memory_space<vmem>> -> memref<64x128xf32, #tpu.memory_space<vmem>>
      %dma_start3A_825 = arith.constant 0 : i32
      %dma_start3A_826 = tpu.memref_slice %arg4[%add3A_819, %dma_start3A_825] : memref<819200x128xf32, #tpu.memory_space<hbm>> -> memref<64x128xf32, #tpu.memory_space<hbm>>
      %dma_start3A_827 = arith.constant 0 : i32
      %dma_start3A_828 = tpu.memref_slice %arg4[%add3A_819, %dma_start3A_827] : memref<819200x128xf32, #tpu.memory_space<hbm>> -> memref<64x128xf32, #tpu.memory_space<hbm>>
      %dma_start3A_829 = arith.constant 0 : i32
      %dma_start3A_830 = arith.constant 0 : i32
      %dma_start3A_831 = tpu.memref_slice %arg6[%dma_start3A_820, %dma_start3A_829, %dma_start3A_830] : memref<8x64x128xf32, #tpu.memory_space<vmem>> -> memref<1x64x128xf32, #tpu.memory_space<vmem>>
      %dma_start3A_832 = tpu.memref_squeeze %dma_start3A_831 : memref<1x64x128xf32, #tpu.memory_space<vmem>> -> memref<64x128xf32, #tpu.memory_space<vmem>>
      tpu.enqueue_dma source(%dma_start3A_832 : memref<64x128xf32, #tpu.memory_space<vmem>>) target(%dma_start3A_828 : memref<64x128xf32, #tpu.memory_space<hbm>>) target_semaphore(%arg21 : memref<!tpu.dma_semaphore, #tpu.memory_space<semaphore_mem>>)
      %mul3A_833 = arith.constant 64 : i32
      %mul3A_834 = arith.muli %add3A_805, %mul3A_833 : i32
      %add3A_835 = arith.addi %mul3A_2, %mul3A_834 : i32
      %dma_wait3A_836 = arith.constant 6 : i32
      %dma_wait3A_837 = arith.constant 0 : i32
      %dma_wait3A_838 = arith.constant 0 : i32
      %dma_wait3A_839 = tpu.memref_slice %arg6[%dma_wait3A_836, %dma_wait3A_837, %dma_wait3A_838] : memref<8x64x128xf32, #tpu.memory_space<vmem>> -> memref<1x64x128xf32, #tpu.memory_space<vmem>>
      %dma_wait3A_840 = tpu.memref_squeeze %dma_wait3A_839 : memref<1x64x128xf32, #tpu.memory_space<vmem>> -> memref<64x128xf32, #tpu.memory_space<vmem>>
      %dma_wait3A_841 = arith.constant 0 : i32
      %dma_wait3A_842 = tpu.memref_slice %arg4[%add3A_835, %dma_wait3A_841] : memref<819200x128xf32, #tpu.memory_space<hbm>> -> memref<64x128xf32, #tpu.memory_space<hbm>>
      %dma_wait3A_843 = arith.constant 0 : i32
      %dma_wait3A_844 = tpu.memref_slice %arg4[%add3A_835, %dma_wait3A_843] : memref<819200x128xf32, #tpu.memory_space<hbm>> -> memref<64x128xf32, #tpu.memory_space<hbm>>
      %dma_wait3A_845 = arith.constant 0 : i32
      %dma_wait3A_846 = arith.constant 0 : i32
      %dma_wait3A_847 = tpu.memref_slice %arg6[%dma_wait3A_836, %dma_wait3A_845, %dma_wait3A_846] : memref<8x64x128xf32, #tpu.memory_space<vmem>> -> memref<1x64x128xf32, #tpu.memory_space<vmem>>
      %dma_wait3A_848 = tpu.memref_squeeze %dma_wait3A_847 : memref<1x64x128xf32, #tpu.memory_space<vmem>> -> memref<64x128xf32, #tpu.memory_space<vmem>>
      tpu.wait_dma2 semaphore(%arg21 : memref<!tpu.dma_semaphore, #tpu.memory_space<semaphore_mem>>) src(%dma_wait3A_848 : memref<64x128xf32, #tpu.memory_space<vmem>>) dst(%dma_wait3A_844 : memref<64x128xf32, #tpu.memory_space<hbm>>)
      %add3A_849 = arith.constant 8 : i32
      %add3A_850 = arith.addi %add3A_805, %add3A_849 : i32
      %dma_start3A_851 = arith.constant 6 : i32
      %dma_start3A_852 = arith.constant 0 : i32
      %dma_start3A_853 = arith.constant 0 : i32
      %dma_start3A_854 = tpu.memref_slice %arg6[%dma_start3A_851, %dma_start3A_852, %dma_start3A_853] : memref<8x64x128xf32, #tpu.memory_space<vmem>> -> memref<1x64x128xf32, #tpu.memory_space<vmem>>
      %dma_start3A_855 = tpu.memref_squeeze %dma_start3A_854 : memref<1x64x128xf32, #tpu.memory_space<vmem>> -> memref<64x128xf32, #tpu.memory_space<vmem>>
      %dma_start3A_856 = arith.constant 0 : i32
      %dma_start3A_857 = tpu.memref_slice %arg5[%add3A_850, %dma_start3A_856] : memref<400x64xi32, #tpu.memory_space<vmem>> -> memref<1x64xi32, #tpu.memory_space<vmem>>
      %dma_start3A_858 = tpu.memref_squeeze %dma_start3A_857 : memref<1x64xi32, #tpu.memory_space<vmem>> -> memref<64xi32, #tpu.memory_space<vmem>>
      %dma_start3A_859 = arith.constant 0 : i32
      %dma_start3A_860 = arith.constant 0 : i32
      %dma_start3A_861 = tpu.memref_slice %arg3[%dma_start3A_859, %dma_start3A_860] : memref<100002x128xf32, #tpu.memory_space<hbm>> -> memref<100002x128xf32, #tpu.memory_space<hbm>>
      tpu.enqueue_indirect_dma source(%dma_start3A_861 : memref<100002x128xf32, #tpu.memory_space<hbm>>) target(%dma_start3A_855 : memref<64x128xf32, #tpu.memory_space<vmem>>) offsets(%dma_start3A_858 : memref<64xi32, #tpu.memory_space<vmem>>) semaphore(%arg13 : memref<!tpu.dma_semaphore, #tpu.memory_space<semaphore_mem>>)
      %mul3A_862 = arith.constant 8 : i32
      %mul3A_863 = arith.muli %add3A_441, %mul3A_862 : i32
      %add3A_864 = arith.constant 7 : i32
      %add3A_865 = arith.addi %mul3A_863, %add3A_864 : i32
      %dma_wait3A_866 = arith.constant 7 : i32
      %dma_wait3A_867 = arith.constant 0 : i32
      %dma_wait3A_868 = arith.constant 0 : i32
      %dma_wait3A_869 = tpu.memref_slice %arg6[%dma_wait3A_866, %dma_wait3A_867, %dma_wait3A_868] : memref<8x64x128xf32, #tpu.memory_space<vmem>> -> memref<1x64x128xf32, #tpu.memory_space<vmem>>
      %dma_wait3A_870 = tpu.memref_squeeze %dma_wait3A_869 : memref<1x64x128xf32, #tpu.memory_space<vmem>> -> memref<64x128xf32, #tpu.memory_space<vmem>>
      %dma_wait3A_871 = arith.constant 0 : i32
      %dma_wait3A_872 = tpu.memref_slice %arg5[%add3A_865, %dma_wait3A_871] : memref<400x64xi32, #tpu.memory_space<vmem>> -> memref<1x64xi32, #tpu.memory_space<vmem>>
      %dma_wait3A_873 = tpu.memref_squeeze %dma_wait3A_872 : memref<1x64xi32, #tpu.memory_space<vmem>> -> memref<64xi32, #tpu.memory_space<vmem>>
      %dma_wait3A_874 = arith.constant 0 : i32
      %dma_wait3A_875 = arith.constant 0 : i32
      %dma_wait3A_876 = tpu.memref_slice %arg3[%dma_wait3A_874, %dma_wait3A_875] : memref<100002x128xf32, #tpu.memory_space<hbm>> -> memref<100002x128xf32, #tpu.memory_space<hbm>>
      tpu.wait_indirect_dma semaphore(%arg14 : memref<!tpu.dma_semaphore, #tpu.memory_space<semaphore_mem>>) src(%dma_wait3A_876 : memref<100002x128xf32, #tpu.memory_space<hbm>>) dst(%dma_wait3A_870 : memref<64x128xf32, #tpu.memory_space<vmem>>)
      %mul3A_877 = arith.constant 64 : i32
      %mul3A_878 = arith.muli %add3A_865, %mul3A_877 : i32
      %add3A_879 = arith.addi %mul3A_2, %mul3A_878 : i32
      %dma_start3A_880 = arith.constant 7 : i32
      %dma_start3A_881 = arith.constant 0 : i32
      %dma_start3A_882 = arith.constant 0 : i32
      %dma_start3A_883 = tpu.memref_slice %arg6[%dma_start3A_880, %dma_start3A_881, %dma_start3A_882] : memref<8x64x128xf32, #tpu.memory_space<vmem>> -> memref<1x64x128xf32, #tpu.memory_space<vmem>>
      %dma_start3A_884 = tpu.memref_squeeze %dma_start3A_883 : memref<1x64x128xf32, #tpu.memory_space<vmem>> -> memref<64x128xf32, #tpu.memory_space<vmem>>
      %dma_start3A_885 = arith.constant 0 : i32
      %dma_start3A_886 = tpu.memref_slice %arg4[%add3A_879, %dma_start3A_885] : memref<819200x128xf32, #tpu.memory_space<hbm>> -> memref<64x128xf32, #tpu.memory_space<hbm>>
      %dma_start3A_887 = arith.constant 0 : i32
      %dma_start3A_888 = tpu.memref_slice %arg4[%add3A_879, %dma_start3A_887] : memref<819200x128xf32, #tpu.memory_space<hbm>> -> memref<64x128xf32, #tpu.memory_space<hbm>>
      %dma_start3A_889 = arith.constant 0 : i32
      %dma_start3A_890 = arith.constant 0 : i32
      %dma_start3A_891 = tpu.memref_slice %arg6[%dma_start3A_880, %dma_start3A_889, %dma_start3A_890] : memref<8x64x128xf32, #tpu.memory_space<vmem>> -> memref<1x64x128xf32, #tpu.memory_space<vmem>>
      %dma_start3A_892 = tpu.memref_squeeze %dma_start3A_891 : memref<1x64x128xf32, #tpu.memory_space<vmem>> -> memref<64x128xf32, #tpu.memory_space<vmem>>
      tpu.enqueue_dma source(%dma_start3A_892 : memref<64x128xf32, #tpu.memory_space<vmem>>) target(%dma_start3A_888 : memref<64x128xf32, #tpu.memory_space<hbm>>) target_semaphore(%arg22 : memref<!tpu.dma_semaphore, #tpu.memory_space<semaphore_mem>>)
      %mul3A_893 = arith.constant 64 : i32
      %mul3A_894 = arith.muli %add3A_865, %mul3A_893 : i32
      %add3A_895 = arith.addi %mul3A_2, %mul3A_894 : i32
      %dma_wait3A_896 = arith.constant 7 : i32
      %dma_wait3A_897 = arith.constant 0 : i32
      %dma_wait3A_898 = arith.constant 0 : i32
      %dma_wait3A_899 = tpu.memref_slice %arg6[%dma_wait3A_896, %dma_wait3A_897, %dma_wait3A_898] : memref<8x64x128xf32, #tpu.memory_space<vmem>> -> memref<1x64x128xf32, #tpu.memory_space<vmem>>
      %dma_wait3A_900 = tpu.memref_squeeze %dma_wait3A_899 : memref<1x64x128xf32, #tpu.memory_space<vmem>> -> memref<64x128xf32, #tpu.memory_space<vmem>>
      %dma_wait3A_901 = arith.constant 0 : i32
      %dma_wait3A_902 = tpu.memref_slice %arg4[%add3A_895, %dma_wait3A_901] : memref<819200x128xf32, #tpu.memory_space<hbm>> -> memref<64x128xf32, #tpu.memory_space<hbm>>
      %dma_wait3A_903 = arith.constant 0 : i32
      %dma_wait3A_904 = tpu.memref_slice %arg4[%add3A_895, %dma_wait3A_903] : memref<819200x128xf32, #tpu.memory_space<hbm>> -> memref<64x128xf32, #tpu.memory_space<hbm>>
      %dma_wait3A_905 = arith.constant 0 : i32
      %dma_wait3A_906 = arith.constant 0 : i32
      %dma_wait3A_907 = tpu.memref_slice %arg6[%dma_wait3A_896, %dma_wait3A_905, %dma_wait3A_906] : memref<8x64x128xf32, #tpu.memory_space<vmem>> -> memref<1x64x128xf32, #tpu.memory_space<vmem>>
      %dma_wait3A_908 = tpu.memref_squeeze %dma_wait3A_907 : memref<1x64x128xf32, #tpu.memory_space<vmem>> -> memref<64x128xf32, #tpu.memory_space<vmem>>
      tpu.wait_dma2 semaphore(%arg22 : memref<!tpu.dma_semaphore, #tpu.memory_space<semaphore_mem>>) src(%dma_wait3A_908 : memref<64x128xf32, #tpu.memory_space<vmem>>) dst(%dma_wait3A_904 : memref<64x128xf32, #tpu.memory_space<hbm>>)
      %add3A_909 = arith.constant 8 : i32
      %add3A_910 = arith.addi %add3A_865, %add3A_909 : i32
      %dma_start3A_911 = arith.constant 7 : i32
      %dma_start3A_912 = arith.constant 0 : i32
      %dma_start3A_913 = arith.constant 0 : i32
      %dma_start3A_914 = tpu.memref_slice %arg6[%dma_start3A_911, %dma_start3A_912, %dma_start3A_913] : memref<8x64x128xf32, #tpu.memory_space<vmem>> -> memref<1x64x128xf32, #tpu.memory_space<vmem>>
      %dma_start3A_915 = tpu.memref_squeeze %dma_start3A_914 : memref<1x64x128xf32, #tpu.memory_space<vmem>> -> memref<64x128xf32, #tpu.memory_space<vmem>>
      %dma_start3A_916 = arith.constant 0 : i32
      %dma_start3A_917 = tpu.memref_slice %arg5[%add3A_910, %dma_start3A_916] : memref<400x64xi32, #tpu.memory_space<vmem>> -> memref<1x64xi32, #tpu.memory_space<vmem>>
      %dma_start3A_918 = tpu.memref_squeeze %dma_start3A_917 : memref<1x64xi32, #tpu.memory_space<vmem>> -> memref<64xi32, #tpu.memory_space<vmem>>
      %dma_start3A_919 = arith.constant 0 : i32
      %dma_start3A_920 = arith.constant 0 : i32
      %dma_start3A_921 = tpu.memref_slice %arg3[%dma_start3A_919, %dma_start3A_920] : memref<100002x128xf32, #tpu.memory_space<hbm>> -> memref<100002x128xf32, #tpu.memory_space<hbm>>
      tpu.enqueue_indirect_dma source(%dma_start3A_921 : memref<100002x128xf32, #tpu.memory_space<hbm>>) target(%dma_start3A_915 : memref<64x128xf32, #tpu.memory_space<vmem>>) offsets(%dma_start3A_918 : memref<64xi32, #tpu.memory_space<vmem>>) semaphore(%arg14 : memref<!tpu.dma_semaphore, #tpu.memory_space<semaphore_mem>>)
    }
    %scan3A_101 = arith.constant 49 : i32
    %dma_wait3A = arith.constant 392 : i32
    %dma_wait3A_102 = arith.constant 0 : i32
    %dma_wait3A_103 = arith.constant 0 : i32
    %dma_wait3A_104 = arith.constant 0 : i32
    %dma_wait3A_105 = tpu.memref_slice %arg6[%dma_wait3A_102, %dma_wait3A_103, %dma_wait3A_104] : memref<8x64x128xf32, #tpu.memory_space<vmem>> -> memref<1x64x128xf32, #tpu.memory_space<vmem>>
    %dma_wait3A_106 = tpu.memref_squeeze %dma_wait3A_105 : memref<1x64x128xf32, #tpu.memory_space<vmem>> -> memref<64x128xf32, #tpu.memory_space<vmem>>
    %dma_wait3A_107 = arith.constant 0 : i32
    %dma_wait3A_108 = tpu.memref_slice %arg5[%dma_wait3A, %dma_wait3A_107] : memref<400x64xi32, #tpu.memory_space<vmem>> -> memref<1x64xi32, #tpu.memory_space<vmem>>
    %dma_wait3A_109 = tpu.memref_squeeze %dma_wait3A_108 : memref<1x64xi32, #tpu.memory_space<vmem>> -> memref<64xi32, #tpu.memory_space<vmem>>
    %dma_wait3A_110 = arith.constant 0 : i32
    %dma_wait3A_111 = arith.constant 0 : i32
    %dma_wait3A_112 = tpu.memref_slice %arg3[%dma_wait3A_110, %dma_wait3A_111] : memref<100002x128xf32, #tpu.memory_space<hbm>> -> memref<100002x128xf32, #tpu.memory_space<hbm>>
    tpu.wait_indirect_dma semaphore(%arg7 : memref<!tpu.dma_semaphore, #tpu.memory_space<semaphore_mem>>) src(%dma_wait3A_112 : memref<100002x128xf32, #tpu.memory_space<hbm>>) dst(%dma_wait3A_106 : memref<64x128xf32, #tpu.memory_space<vmem>>)
    %add3A_113 = arith.constant 25088 : i32
    %add3A_114 = arith.addi %mul3A_2, %add3A_113 : i32
    %dma_start3A_115 = arith.constant 0 : i32
    %dma_start3A_116 = arith.constant 0 : i32
    %dma_start3A_117 = arith.constant 0 : i32
    %dma_start3A_118 = tpu.memref_slice %arg6[%dma_start3A_115, %dma_start3A_116, %dma_start3A_117] : memref<8x64x128xf32, #tpu.memory_space<vmem>> -> memref<1x64x128xf32, #tpu.memory_space<vmem>>
    %dma_start3A_119 = tpu.memref_squeeze %dma_start3A_118 : memref<1x64x128xf32, #tpu.memory_space<vmem>> -> memref<64x128xf32, #tpu.memory_space<vmem>>
    %dma_start3A_120 = arith.constant 0 : i32
    %dma_start3A_121 = tpu.memref_slice %arg4[%add3A_114, %dma_start3A_120] : memref<819200x128xf32, #tpu.memory_space<hbm>> -> memref<64x128xf32, #tpu.memory_space<hbm>>
    %dma_start3A_122 = arith.constant 0 : i32
    %dma_start3A_123 = tpu.memref_slice %arg4[%add3A_114, %dma_start3A_122] : memref<819200x128xf32, #tpu.memory_space<hbm>> -> memref<64x128xf32, #tpu.memory_space<hbm>>
    %dma_start3A_124 = arith.constant 0 : i32
    %dma_start3A_125 = arith.constant 0 : i32
    %dma_start3A_126 = tpu.memref_slice %arg6[%dma_start3A_115, %dma_start3A_124, %dma_start3A_125] : memref<8x64x128xf32, #tpu.memory_space<vmem>> -> memref<1x64x128xf32, #tpu.memory_space<vmem>>
    %dma_start3A_127 = tpu.memref_squeeze %dma_start3A_126 : memref<1x64x128xf32, #tpu.memory_space<vmem>> -> memref<64x128xf32, #tpu.memory_space<vmem>>
    tpu.enqueue_dma source(%dma_start3A_127 : memref<64x128xf32, #tpu.memory_space<vmem>>) target(%dma_start3A_123 : memref<64x128xf32, #tpu.memory_space<hbm>>) target_semaphore(%arg15 : memref<!tpu.dma_semaphore, #tpu.memory_space<semaphore_mem>>)
    %dma_wait3A_128 = arith.constant 393 : i32
    %dma_wait3A_129 = arith.constant 1 : i32
    %dma_wait3A_130 = arith.constant 0 : i32
    %dma_wait3A_131 = arith.constant 0 : i32
    %dma_wait3A_132 = tpu.memref_slice %arg6[%dma_wait3A_129, %dma_wait3A_130, %dma_wait3A_131] : memref<8x64x128xf32, #tpu.memory_space<vmem>> -> memref<1x64x128xf32, #tpu.memory_space<vmem>>
    %dma_wait3A_133 = tpu.memref_squeeze %dma_wait3A_132 : memref<1x64x128xf32, #tpu.memory_space<vmem>> -> memref<64x128xf32, #tpu.memory_space<vmem>>
    %dma_wait3A_134 = arith.constant 0 : i32
    %dma_wait3A_135 = tpu.memref_slice %arg5[%dma_wait3A_128, %dma_wait3A_134] : memref<400x64xi32, #tpu.memory_space<vmem>> -> memref<1x64xi32, #tpu.memory_space<vmem>>
    %dma_wait3A_136 = tpu.memref_squeeze %dma_wait3A_135 : memref<1x64xi32, #tpu.memory_space<vmem>> -> memref<64xi32, #tpu.memory_space<vmem>>
    %dma_wait3A_137 = arith.constant 0 : i32
    %dma_wait3A_138 = arith.constant 0 : i32
    %dma_wait3A_139 = tpu.memref_slice %arg3[%dma_wait3A_137, %dma_wait3A_138] : memref<100002x128xf32, #tpu.memory_space<hbm>> -> memref<100002x128xf32, #tpu.memory_space<hbm>>
    tpu.wait_indirect_dma semaphore(%arg8 : memref<!tpu.dma_semaphore, #tpu.memory_space<semaphore_mem>>) src(%dma_wait3A_139 : memref<100002x128xf32, #tpu.memory_space<hbm>>) dst(%dma_wait3A_133 : memref<64x128xf32, #tpu.memory_space<vmem>>)
    %add3A_140 = arith.constant 25152 : i32
    %add3A_141 = arith.addi %mul3A_2, %add3A_140 : i32
    %dma_start3A_142 = arith.constant 1 : i32
    %dma_start3A_143 = arith.constant 0 : i32
    %dma_start3A_144 = arith.constant 0 : i32
    %dma_start3A_145 = tpu.memref_slice %arg6[%dma_start3A_142, %dma_start3A_143, %dma_start3A_144] : memref<8x64x128xf32, #tpu.memory_space<vmem>> -> memref<1x64x128xf32, #tpu.memory_space<vmem>>
    %dma_start3A_146 = tpu.memref_squeeze %dma_start3A_145 : memref<1x64x128xf32, #tpu.memory_space<vmem>> -> memref<64x128xf32, #tpu.memory_space<vmem>>
    %dma_start3A_147 = arith.constant 0 : i32
    %dma_start3A_148 = tpu.memref_slice %arg4[%add3A_141, %dma_start3A_147] : memref<819200x128xf32, #tpu.memory_space<hbm>> -> memref<64x128xf32, #tpu.memory_space<hbm>>
    %dma_start3A_149 = arith.constant 0 : i32
    %dma_start3A_150 = tpu.memref_slice %arg4[%add3A_141, %dma_start3A_149] : memref<819200x128xf32, #tpu.memory_space<hbm>> -> memref<64x128xf32, #tpu.memory_space<hbm>>
    %dma_start3A_151 = arith.constant 0 : i32
    %dma_start3A_152 = arith.constant 0 : i32
    %dma_start3A_153 = tpu.memref_slice %arg6[%dma_start3A_142, %dma_start3A_151, %dma_start3A_152] : memref<8x64x128xf32, #tpu.memory_space<vmem>> -> memref<1x64x128xf32, #tpu.memory_space<vmem>>
    %dma_start3A_154 = tpu.memref_squeeze %dma_start3A_153 : memref<1x64x128xf32, #tpu.memory_space<vmem>> -> memref<64x128xf32, #tpu.memory_space<vmem>>
    tpu.enqueue_dma source(%dma_start3A_154 : memref<64x128xf32, #tpu.memory_space<vmem>>) target(%dma_start3A_150 : memref<64x128xf32, #tpu.memory_space<hbm>>) target_semaphore(%arg16 : memref<!tpu.dma_semaphore, #tpu.memory_space<semaphore_mem>>)
    %dma_wait3A_155 = arith.constant 394 : i32
    %dma_wait3A_156 = arith.constant 2 : i32
    %dma_wait3A_157 = arith.constant 0 : i32
    %dma_wait3A_158 = arith.constant 0 : i32
    %dma_wait3A_159 = tpu.memref_slice %arg6[%dma_wait3A_156, %dma_wait3A_157, %dma_wait3A_158] : memref<8x64x128xf32, #tpu.memory_space<vmem>> -> memref<1x64x128xf32, #tpu.memory_space<vmem>>
    %dma_wait3A_160 = tpu.memref_squeeze %dma_wait3A_159 : memref<1x64x128xf32, #tpu.memory_space<vmem>> -> memref<64x128xf32, #tpu.memory_space<vmem>>
    %dma_wait3A_161 = arith.constant 0 : i32
    %dma_wait3A_162 = tpu.memref_slice %arg5[%dma_wait3A_155, %dma_wait3A_161] : memref<400x64xi32, #tpu.memory_space<vmem>> -> memref<1x64xi32, #tpu.memory_space<vmem>>
    %dma_wait3A_163 = tpu.memref_squeeze %dma_wait3A_162 : memref<1x64xi32, #tpu.memory_space<vmem>> -> memref<64xi32, #tpu.memory_space<vmem>>
    %dma_wait3A_164 = arith.constant 0 : i32
    %dma_wait3A_165 = arith.constant 0 : i32
    %dma_wait3A_166 = tpu.memref_slice %arg3[%dma_wait3A_164, %dma_wait3A_165] : memref<100002x128xf32, #tpu.memory_space<hbm>> -> memref<100002x128xf32, #tpu.memory_space<hbm>>
    tpu.wait_indirect_dma semaphore(%arg9 : memref<!tpu.dma_semaphore, #tpu.memory_space<semaphore_mem>>) src(%dma_wait3A_166 : memref<100002x128xf32, #tpu.memory_space<hbm>>) dst(%dma_wait3A_160 : memref<64x128xf32, #tpu.memory_space<vmem>>)
    %add3A_167 = arith.constant 25216 : i32
    %add3A_168 = arith.addi %mul3A_2, %add3A_167 : i32
    %dma_start3A_169 = arith.constant 2 : i32
    %dma_start3A_170 = arith.constant 0 : i32
    %dma_start3A_171 = arith.constant 0 : i32
    %dma_start3A_172 = tpu.memref_slice %arg6[%dma_start3A_169, %dma_start3A_170, %dma_start3A_171] : memref<8x64x128xf32, #tpu.memory_space<vmem>> -> memref<1x64x128xf32, #tpu.memory_space<vmem>>
    %dma_start3A_173 = tpu.memref_squeeze %dma_start3A_172 : memref<1x64x128xf32, #tpu.memory_space<vmem>> -> memref<64x128xf32, #tpu.memory_space<vmem>>
    %dma_start3A_174 = arith.constant 0 : i32
    %dma_start3A_175 = tpu.memref_slice %arg4[%add3A_168, %dma_start3A_174] : memref<819200x128xf32, #tpu.memory_space<hbm>> -> memref<64x128xf32, #tpu.memory_space<hbm>>
    %dma_start3A_176 = arith.constant 0 : i32
    %dma_start3A_177 = tpu.memref_slice %arg4[%add3A_168, %dma_start3A_176] : memref<819200x128xf32, #tpu.memory_space<hbm>> -> memref<64x128xf32, #tpu.memory_space<hbm>>
    %dma_start3A_178 = arith.constant 0 : i32
    %dma_start3A_179 = arith.constant 0 : i32
    %dma_start3A_180 = tpu.memref_slice %arg6[%dma_start3A_169, %dma_start3A_178, %dma_start3A_179] : memref<8x64x128xf32, #tpu.memory_space<vmem>> -> memref<1x64x128xf32, #tpu.memory_space<vmem>>
    %dma_start3A_181 = tpu.memref_squeeze %dma_start3A_180 : memref<1x64x128xf32, #tpu.memory_space<vmem>> -> memref<64x128xf32, #tpu.memory_space<vmem>>
    tpu.enqueue_dma source(%dma_start3A_181 : memref<64x128xf32, #tpu.memory_space<vmem>>) target(%dma_start3A_177 : memref<64x128xf32, #tpu.memory_space<hbm>>) target_semaphore(%arg17 : memref<!tpu.dma_semaphore, #tpu.memory_space<semaphore_mem>>)
    %dma_wait3A_182 = arith.constant 395 : i32
    %dma_wait3A_183 = arith.constant 3 : i32
    %dma_wait3A_184 = arith.constant 0 : i32
    %dma_wait3A_185 = arith.constant 0 : i32
    %dma_wait3A_186 = tpu.memref_slice %arg6[%dma_wait3A_183, %dma_wait3A_184, %dma_wait3A_185] : memref<8x64x128xf32, #tpu.memory_space<vmem>> -> memref<1x64x128xf32, #tpu.memory_space<vmem>>
    %dma_wait3A_187 = tpu.memref_squeeze %dma_wait3A_186 : memref<1x64x128xf32, #tpu.memory_space<vmem>> -> memref<64x128xf32, #tpu.memory_space<vmem>>
    %dma_wait3A_188 = arith.constant 0 : i32
    %dma_wait3A_189 = tpu.memref_slice %arg5[%dma_wait3A_182, %dma_wait3A_188] : memref<400x64xi32, #tpu.memory_space<vmem>> -> memref<1x64xi32, #tpu.memory_space<vmem>>
    %dma_wait3A_190 = tpu.memref_squeeze %dma_wait3A_189 : memref<1x64xi32, #tpu.memory_space<vmem>> -> memref<64xi32, #tpu.memory_space<vmem>>
    %dma_wait3A_191 = arith.constant 0 : i32
    %dma_wait3A_192 = arith.constant 0 : i32
    %dma_wait3A_193 = tpu.memref_slice %arg3[%dma_wait3A_191, %dma_wait3A_192] : memref<100002x128xf32, #tpu.memory_space<hbm>> -> memref<100002x128xf32, #tpu.memory_space<hbm>>
    tpu.wait_indirect_dma semaphore(%arg10 : memref<!tpu.dma_semaphore, #tpu.memory_space<semaphore_mem>>) src(%dma_wait3A_193 : memref<100002x128xf32, #tpu.memory_space<hbm>>) dst(%dma_wait3A_187 : memref<64x128xf32, #tpu.memory_space<vmem>>)
    %add3A_194 = arith.constant 25280 : i32
    %add3A_195 = arith.addi %mul3A_2, %add3A_194 : i32
    %dma_start3A_196 = arith.constant 3 : i32
    %dma_start3A_197 = arith.constant 0 : i32
    %dma_start3A_198 = arith.constant 0 : i32
    %dma_start3A_199 = tpu.memref_slice %arg6[%dma_start3A_196, %dma_start3A_197, %dma_start3A_198] : memref<8x64x128xf32, #tpu.memory_space<vmem>> -> memref<1x64x128xf32, #tpu.memory_space<vmem>>
    %dma_start3A_200 = tpu.memref_squeeze %dma_start3A_199 : memref<1x64x128xf32, #tpu.memory_space<vmem>> -> memref<64x128xf32, #tpu.memory_space<vmem>>
    %dma_start3A_201 = arith.constant 0 : i32
    %dma_start3A_202 = tpu.memref_slice %arg4[%add3A_195, %dma_start3A_201] : memref<819200x128xf32, #tpu.memory_space<hbm>> -> memref<64x128xf32, #tpu.memory_space<hbm>>
    %dma_start3A_203 = arith.constant 0 : i32
    %dma_start3A_204 = tpu.memref_slice %arg4[%add3A_195, %dma_start3A_203] : memref<819200x128xf32, #tpu.memory_space<hbm>> -> memref<64x128xf32, #tpu.memory_space<hbm>>
    %dma_start3A_205 = arith.constant 0 : i32
    %dma_start3A_206 = arith.constant 0 : i32
    %dma_start3A_207 = tpu.memref_slice %arg6[%dma_start3A_196, %dma_start3A_205, %dma_start3A_206] : memref<8x64x128xf32, #tpu.memory_space<vmem>> -> memref<1x64x128xf32, #tpu.memory_space<vmem>>
    %dma_start3A_208 = tpu.memref_squeeze %dma_start3A_207 : memref<1x64x128xf32, #tpu.memory_space<vmem>> -> memref<64x128xf32, #tpu.memory_space<vmem>>
    tpu.enqueue_dma source(%dma_start3A_208 : memref<64x128xf32, #tpu.memory_space<vmem>>) target(%dma_start3A_204 : memref<64x128xf32, #tpu.memory_space<hbm>>) target_semaphore(%arg18 : memref<!tpu.dma_semaphore, #tpu.memory_space<semaphore_mem>>)
    %dma_wait3A_209 = arith.constant 396 : i32
    %dma_wait3A_210 = arith.constant 4 : i32
    %dma_wait3A_211 = arith.constant 0 : i32
    %dma_wait3A_212 = arith.constant 0 : i32
    %dma_wait3A_213 = tpu.memref_slice %arg6[%dma_wait3A_210, %dma_wait3A_211, %dma_wait3A_212] : memref<8x64x128xf32, #tpu.memory_space<vmem>> -> memref<1x64x128xf32, #tpu.memory_space<vmem>>
    %dma_wait3A_214 = tpu.memref_squeeze %dma_wait3A_213 : memref<1x64x128xf32, #tpu.memory_space<vmem>> -> memref<64x128xf32, #tpu.memory_space<vmem>>
    %dma_wait3A_215 = arith.constant 0 : i32
    %dma_wait3A_216 = tpu.memref_slice %arg5[%dma_wait3A_209, %dma_wait3A_215] : memref<400x64xi32, #tpu.memory_space<vmem>> -> memref<1x64xi32, #tpu.memory_space<vmem>>
    %dma_wait3A_217 = tpu.memref_squeeze %dma_wait3A_216 : memref<1x64xi32, #tpu.memory_space<vmem>> -> memref<64xi32, #tpu.memory_space<vmem>>
    %dma_wait3A_218 = arith.constant 0 : i32
    %dma_wait3A_219 = arith.constant 0 : i32
    %dma_wait3A_220 = tpu.memref_slice %arg3[%dma_wait3A_218, %dma_wait3A_219] : memref<100002x128xf32, #tpu.memory_space<hbm>> -> memref<100002x128xf32, #tpu.memory_space<hbm>>
    tpu.wait_indirect_dma semaphore(%arg11 : memref<!tpu.dma_semaphore, #tpu.memory_space<semaphore_mem>>) src(%dma_wait3A_220 : memref<100002x128xf32, #tpu.memory_space<hbm>>) dst(%dma_wait3A_214 : memref<64x128xf32, #tpu.memory_space<vmem>>)
    %add3A_221 = arith.constant 25344 : i32
    %add3A_222 = arith.addi %mul3A_2, %add3A_221 : i32
    %dma_start3A_223 = arith.constant 4 : i32
    %dma_start3A_224 = arith.constant 0 : i32
    %dma_start3A_225 = arith.constant 0 : i32
    %dma_start3A_226 = tpu.memref_slice %arg6[%dma_start3A_223, %dma_start3A_224, %dma_start3A_225] : memref<8x64x128xf32, #tpu.memory_space<vmem>> -> memref<1x64x128xf32, #tpu.memory_space<vmem>>
    %dma_start3A_227 = tpu.memref_squeeze %dma_start3A_226 : memref<1x64x128xf32, #tpu.memory_space<vmem>> -> memref<64x128xf32, #tpu.memory_space<vmem>>
    %dma_start3A_228 = arith.constant 0 : i32
    %dma_start3A_229 = tpu.memref_slice %arg4[%add3A_222, %dma_start3A_228] : memref<819200x128xf32, #tpu.memory_space<hbm>> -> memref<64x128xf32, #tpu.memory_space<hbm>>
    %dma_start3A_230 = arith.constant 0 : i32
    %dma_start3A_231 = tpu.memref_slice %arg4[%add3A_222, %dma_start3A_230] : memref<819200x128xf32, #tpu.memory_space<hbm>> -> memref<64x128xf32, #tpu.memory_space<hbm>>
    %dma_start3A_232 = arith.constant 0 : i32
    %dma_start3A_233 = arith.constant 0 : i32
    %dma_start3A_234 = tpu.memref_slice %arg6[%dma_start3A_223, %dma_start3A_232, %dma_start3A_233] : memref<8x64x128xf32, #tpu.memory_space<vmem>> -> memref<1x64x128xf32, #tpu.memory_space<vmem>>
    %dma_start3A_235 = tpu.memref_squeeze %dma_start3A_234 : memref<1x64x128xf32, #tpu.memory_space<vmem>> -> memref<64x128xf32, #tpu.memory_space<vmem>>
    tpu.enqueue_dma source(%dma_start3A_235 : memref<64x128xf32, #tpu.memory_space<vmem>>) target(%dma_start3A_231 : memref<64x128xf32, #tpu.memory_space<hbm>>) target_semaphore(%arg19 : memref<!tpu.dma_semaphore, #tpu.memory_space<semaphore_mem>>)
    %dma_wait3A_236 = arith.constant 397 : i32
    %dma_wait3A_237 = arith.constant 5 : i32
    %dma_wait3A_238 = arith.constant 0 : i32
    %dma_wait3A_239 = arith.constant 0 : i32
    %dma_wait3A_240 = tpu.memref_slice %arg6[%dma_wait3A_237, %dma_wait3A_238, %dma_wait3A_239] : memref<8x64x128xf32, #tpu.memory_space<vmem>> -> memref<1x64x128xf32, #tpu.memory_space<vmem>>
    %dma_wait3A_241 = tpu.memref_squeeze %dma_wait3A_240 : memref<1x64x128xf32, #tpu.memory_space<vmem>> -> memref<64x128xf32, #tpu.memory_space<vmem>>
    %dma_wait3A_242 = arith.constant 0 : i32
    %dma_wait3A_243 = tpu.memref_slice %arg5[%dma_wait3A_236, %dma_wait3A_242] : memref<400x64xi32, #tpu.memory_space<vmem>> -> memref<1x64xi32, #tpu.memory_space<vmem>>
    %dma_wait3A_244 = tpu.memref_squeeze %dma_wait3A_243 : memref<1x64xi32, #tpu.memory_space<vmem>> -> memref<64xi32, #tpu.memory_space<vmem>>
    %dma_wait3A_245 = arith.constant 0 : i32
    %dma_wait3A_246 = arith.constant 0 : i32
    %dma_wait3A_247 = tpu.memref_slice %arg3[%dma_wait3A_245, %dma_wait3A_246] : memref<100002x128xf32, #tpu.memory_space<hbm>> -> memref<100002x128xf32, #tpu.memory_space<hbm>>
    tpu.wait_indirect_dma semaphore(%arg12 : memref<!tpu.dma_semaphore, #tpu.memory_space<semaphore_mem>>) src(%dma_wait3A_247 : memref<100002x128xf32, #tpu.memory_space<hbm>>) dst(%dma_wait3A_241 : memref<64x128xf32, #tpu.memory_space<vmem>>)
    %add3A_248 = arith.constant 25408 : i32
    %add3A_249 = arith.addi %mul3A_2, %add3A_248 : i32
    %dma_start3A_250 = arith.constant 5 : i32
    %dma_start3A_251 = arith.constant 0 : i32
    %dma_start3A_252 = arith.constant 0 : i32
    %dma_start3A_253 = tpu.memref_slice %arg6[%dma_start3A_250, %dma_start3A_251, %dma_start3A_252] : memref<8x64x128xf32, #tpu.memory_space<vmem>> -> memref<1x64x128xf32, #tpu.memory_space<vmem>>
    %dma_start3A_254 = tpu.memref_squeeze %dma_start3A_253 : memref<1x64x128xf32, #tpu.memory_space<vmem>> -> memref<64x128xf32, #tpu.memory_space<vmem>>
    %dma_start3A_255 = arith.constant 0 : i32
    %dma_start3A_256 = tpu.memref_slice %arg4[%add3A_249, %dma_start3A_255] : memref<819200x128xf32, #tpu.memory_space<hbm>> -> memref<64x128xf32, #tpu.memory_space<hbm>>
    %dma_start3A_257 = arith.constant 0 : i32
    %dma_start3A_258 = tpu.memref_slice %arg4[%add3A_249, %dma_start3A_257] : memref<819200x128xf32, #tpu.memory_space<hbm>> -> memref<64x128xf32, #tpu.memory_space<hbm>>
    %dma_start3A_259 = arith.constant 0 : i32
    %dma_start3A_260 = arith.constant 0 : i32
    %dma_start3A_261 = tpu.memref_slice %arg6[%dma_start3A_250, %dma_start3A_259, %dma_start3A_260] : memref<8x64x128xf32, #tpu.memory_space<vmem>> -> memref<1x64x128xf32, #tpu.memory_space<vmem>>
    %dma_start3A_262 = tpu.memref_squeeze %dma_start3A_261 : memref<1x64x128xf32, #tpu.memory_space<vmem>> -> memref<64x128xf32, #tpu.memory_space<vmem>>
    tpu.enqueue_dma source(%dma_start3A_262 : memref<64x128xf32, #tpu.memory_space<vmem>>) target(%dma_start3A_258 : memref<64x128xf32, #tpu.memory_space<hbm>>) target_semaphore(%arg20 : memref<!tpu.dma_semaphore, #tpu.memory_space<semaphore_mem>>)
    %dma_wait3A_263 = arith.constant 398 : i32
    %dma_wait3A_264 = arith.constant 6 : i32
    %dma_wait3A_265 = arith.constant 0 : i32
    %dma_wait3A_266 = arith.constant 0 : i32
    %dma_wait3A_267 = tpu.memref_slice %arg6[%dma_wait3A_264, %dma_wait3A_265, %dma_wait3A_266] : memref<8x64x128xf32, #tpu.memory_space<vmem>> -> memref<1x64x128xf32, #tpu.memory_space<vmem>>
    %dma_wait3A_268 = tpu.memref_squeeze %dma_wait3A_267 : memref<1x64x128xf32, #tpu.memory_space<vmem>> -> memref<64x128xf32, #tpu.memory_space<vmem>>
    %dma_wait3A_269 = arith.constant 0 : i32
    %dma_wait3A_270 = tpu.memref_slice %arg5[%dma_wait3A_263, %dma_wait3A_269] : memref<400x64xi32, #tpu.memory_space<vmem>> -> memref<1x64xi32, #tpu.memory_space<vmem>>
    %dma_wait3A_271 = tpu.memref_squeeze %dma_wait3A_270 : memref<1x64xi32, #tpu.memory_space<vmem>> -> memref<64xi32, #tpu.memory_space<vmem>>
    %dma_wait3A_272 = arith.constant 0 : i32
    %dma_wait3A_273 = arith.constant 0 : i32
    %dma_wait3A_274 = tpu.memref_slice %arg3[%dma_wait3A_272, %dma_wait3A_273] : memref<100002x128xf32, #tpu.memory_space<hbm>> -> memref<100002x128xf32, #tpu.memory_space<hbm>>
    tpu.wait_indirect_dma semaphore(%arg13 : memref<!tpu.dma_semaphore, #tpu.memory_space<semaphore_mem>>) src(%dma_wait3A_274 : memref<100002x128xf32, #tpu.memory_space<hbm>>) dst(%dma_wait3A_268 : memref<64x128xf32, #tpu.memory_space<vmem>>)
    %add3A_275 = arith.constant 25472 : i32
    %add3A_276 = arith.addi %mul3A_2, %add3A_275 : i32
    %dma_start3A_277 = arith.constant 6 : i32
    %dma_start3A_278 = arith.constant 0 : i32
    %dma_start3A_279 = arith.constant 0 : i32
    %dma_start3A_280 = tpu.memref_slice %arg6[%dma_start3A_277, %dma_start3A_278, %dma_start3A_279] : memref<8x64x128xf32, #tpu.memory_space<vmem>> -> memref<1x64x128xf32, #tpu.memory_space<vmem>>
    %dma_start3A_281 = tpu.memref_squeeze %dma_start3A_280 : memref<1x64x128xf32, #tpu.memory_space<vmem>> -> memref<64x128xf32, #tpu.memory_space<vmem>>
    %dma_start3A_282 = arith.constant 0 : i32
    %dma_start3A_283 = tpu.memref_slice %arg4[%add3A_276, %dma_start3A_282] : memref<819200x128xf32, #tpu.memory_space<hbm>> -> memref<64x128xf32, #tpu.memory_space<hbm>>
    %dma_start3A_284 = arith.constant 0 : i32
    %dma_start3A_285 = tpu.memref_slice %arg4[%add3A_276, %dma_start3A_284] : memref<819200x128xf32, #tpu.memory_space<hbm>> -> memref<64x128xf32, #tpu.memory_space<hbm>>
    %dma_start3A_286 = arith.constant 0 : i32
    %dma_start3A_287 = arith.constant 0 : i32
    %dma_start3A_288 = tpu.memref_slice %arg6[%dma_start3A_277, %dma_start3A_286, %dma_start3A_287] : memref<8x64x128xf32, #tpu.memory_space<vmem>> -> memref<1x64x128xf32, #tpu.memory_space<vmem>>
    %dma_start3A_289 = tpu.memref_squeeze %dma_start3A_288 : memref<1x64x128xf32, #tpu.memory_space<vmem>> -> memref<64x128xf32, #tpu.memory_space<vmem>>
    tpu.enqueue_dma source(%dma_start3A_289 : memref<64x128xf32, #tpu.memory_space<vmem>>) target(%dma_start3A_285 : memref<64x128xf32, #tpu.memory_space<hbm>>) target_semaphore(%arg21 : memref<!tpu.dma_semaphore, #tpu.memory_space<semaphore_mem>>)
    %dma_wait3A_290 = arith.constant 399 : i32
    %dma_wait3A_291 = arith.constant 7 : i32
    %dma_wait3A_292 = arith.constant 0 : i32
    %dma_wait3A_293 = arith.constant 0 : i32
    %dma_wait3A_294 = tpu.memref_slice %arg6[%dma_wait3A_291, %dma_wait3A_292, %dma_wait3A_293] : memref<8x64x128xf32, #tpu.memory_space<vmem>> -> memref<1x64x128xf32, #tpu.memory_space<vmem>>
    %dma_wait3A_295 = tpu.memref_squeeze %dma_wait3A_294 : memref<1x64x128xf32, #tpu.memory_space<vmem>> -> memref<64x128xf32, #tpu.memory_space<vmem>>
    %dma_wait3A_296 = arith.constant 0 : i32
    %dma_wait3A_297 = tpu.memref_slice %arg5[%dma_wait3A_290, %dma_wait3A_296] : memref<400x64xi32, #tpu.memory_space<vmem>> -> memref<1x64xi32, #tpu.memory_space<vmem>>
    %dma_wait3A_298 = tpu.memref_squeeze %dma_wait3A_297 : memref<1x64xi32, #tpu.memory_space<vmem>> -> memref<64xi32, #tpu.memory_space<vmem>>
    %dma_wait3A_299 = arith.constant 0 : i32
    %dma_wait3A_300 = arith.constant 0 : i32
    %dma_wait3A_301 = tpu.memref_slice %arg3[%dma_wait3A_299, %dma_wait3A_300] : memref<100002x128xf32, #tpu.memory_space<hbm>> -> memref<100002x128xf32, #tpu.memory_space<hbm>>
    tpu.wait_indirect_dma semaphore(%arg14 : memref<!tpu.dma_semaphore, #tpu.memory_space<semaphore_mem>>) src(%dma_wait3A_301 : memref<100002x128xf32, #tpu.memory_space<hbm>>) dst(%dma_wait3A_295 : memref<64x128xf32, #tpu.memory_space<vmem>>)
    %add3A_302 = arith.constant 25536 : i32
    %add3A_303 = arith.addi %mul3A_2, %add3A_302 : i32
    %dma_start3A_304 = arith.constant 7 : i32
    %dma_start3A_305 = arith.constant 0 : i32
    %dma_start3A_306 = arith.constant 0 : i32
    %dma_start3A_307 = tpu.memref_slice %arg6[%dma_start3A_304, %dma_start3A_305, %dma_start3A_306] : memref<8x64x128xf32, #tpu.memory_space<vmem>> -> memref<1x64x128xf32, #tpu.memory_space<vmem>>
    %dma_start3A_308 = tpu.memref_squeeze %dma_start3A_307 : memref<1x64x128xf32, #tpu.memory_space<vmem>> -> memref<64x128xf32, #tpu.memory_space<vmem>>
    %dma_start3A_309 = arith.constant 0 : i32
    %dma_start3A_310 = tpu.memref_slice %arg4[%add3A_303, %dma_start3A_309] : memref<819200x128xf32, #tpu.memory_space<hbm>> -> memref<64x128xf32, #tpu.memory_space<hbm>>
    %dma_start3A_311 = arith.constant 0 : i32
    %dma_start3A_312 = tpu.memref_slice %arg4[%add3A_303, %dma_start3A_311] : memref<819200x128xf32, #tpu.memory_space<hbm>> -> memref<64x128xf32, #tpu.memory_space<hbm>>
    %dma_start3A_313 = arith.constant 0 : i32
    %dma_start3A_314 = arith.constant 0 : i32
    %dma_start3A_315 = tpu.memref_slice %arg6[%dma_start3A_304, %dma_start3A_313, %dma_start3A_314] : memref<8x64x128xf32, #tpu.memory_space<vmem>> -> memref<1x64x128xf32, #tpu.memory_space<vmem>>
    %dma_start3A_316 = tpu.memref_squeeze %dma_start3A_315 : memref<1x64x128xf32, #tpu.memory_space<vmem>> -> memref<64x128xf32, #tpu.memory_space<vmem>>
    tpu.enqueue_dma source(%dma_start3A_316 : memref<64x128xf32, #tpu.memory_space<vmem>>) target(%dma_start3A_312 : memref<64x128xf32, #tpu.memory_space<hbm>>) target_semaphore(%arg22 : memref<!tpu.dma_semaphore, #tpu.memory_space<semaphore_mem>>)
    %add3A_317 = arith.constant 25088 : i32
    %add3A_318 = arith.addi %mul3A_2, %add3A_317 : i32
    %dma_wait3A_319 = arith.constant 0 : i32
    %dma_wait3A_320 = arith.constant 0 : i32
    %dma_wait3A_321 = arith.constant 0 : i32
    %dma_wait3A_322 = tpu.memref_slice %arg6[%dma_wait3A_319, %dma_wait3A_320, %dma_wait3A_321] : memref<8x64x128xf32, #tpu.memory_space<vmem>> -> memref<1x64x128xf32, #tpu.memory_space<vmem>>
    %dma_wait3A_323 = tpu.memref_squeeze %dma_wait3A_322 : memref<1x64x128xf32, #tpu.memory_space<vmem>> -> memref<64x128xf32, #tpu.memory_space<vmem>>
    %dma_wait3A_324 = arith.constant 0 : i32
    %dma_wait3A_325 = tpu.memref_slice %arg4[%add3A_318, %dma_wait3A_324] : memref<819200x128xf32, #tpu.memory_space<hbm>> -> memref<64x128xf32, #tpu.memory_space<hbm>>
    %dma_wait3A_326 = arith.constant 0 : i32
    %dma_wait3A_327 = tpu.memref_slice %arg4[%add3A_318, %dma_wait3A_326] : memref<819200x128xf32, #tpu.memory_space<hbm>> -> memref<64x128xf32, #tpu.memory_space<hbm>>
    %dma_wait3A_328 = arith.constant 0 : i32
    %dma_wait3A_329 = arith.constant 0 : i32
    %dma_wait3A_330 = tpu.memref_slice %arg6[%dma_wait3A_319, %dma_wait3A_328, %dma_wait3A_329] : memref<8x64x128xf32, #tpu.memory_space<vmem>> -> memref<1x64x128xf32, #tpu.memory_space<vmem>>
    %dma_wait3A_331 = tpu.memref_squeeze %dma_wait3A_330 : memref<1x64x128xf32, #tpu.memory_space<vmem>> -> memref<64x128xf32, #tpu.memory_space<vmem>>
    tpu.wait_dma2 semaphore(%arg15 : memref<!tpu.dma_semaphore, #tpu.memory_space<semaphore_mem>>) src(%dma_wait3A_331 : memref<64x128xf32, #tpu.memory_space<vmem>>) dst(%dma_wait3A_327 : memref<64x128xf32, #tpu.memory_space<hbm>>)
    %add3A_332 = arith.constant 25152 : i32
    %add3A_333 = arith.addi %mul3A_2, %add3A_332 : i32
    %dma_wait3A_334 = arith.constant 1 : i32
    %dma_wait3A_335 = arith.constant 0 : i32
    %dma_wait3A_336 = arith.constant 0 : i32
    %dma_wait3A_337 = tpu.memref_slice %arg6[%dma_wait3A_334, %dma_wait3A_335, %dma_wait3A_336] : memref<8x64x128xf32, #tpu.memory_space<vmem>> -> memref<1x64x128xf32, #tpu.memory_space<vmem>>
    %dma_wait3A_338 = tpu.memref_squeeze %dma_wait3A_337 : memref<1x64x128xf32, #tpu.memory_space<vmem>> -> memref<64x128xf32, #tpu.memory_space<vmem>>
    %dma_wait3A_339 = arith.constant 0 : i32
    %dma_wait3A_340 = tpu.memref_slice %arg4[%add3A_333, %dma_wait3A_339] : memref<819200x128xf32, #tpu.memory_space<hbm>> -> memref<64x128xf32, #tpu.memory_space<hbm>>
    %dma_wait3A_341 = arith.constant 0 : i32
    %dma_wait3A_342 = tpu.memref_slice %arg4[%add3A_333, %dma_wait3A_341] : memref<819200x128xf32, #tpu.memory_space<hbm>> -> memref<64x128xf32, #tpu.memory_space<hbm>>
    %dma_wait3A_343 = arith.constant 0 : i32
    %dma_wait3A_344 = arith.constant 0 : i32
    %dma_wait3A_345 = tpu.memref_slice %arg6[%dma_wait3A_334, %dma_wait3A_343, %dma_wait3A_344] : memref<8x64x128xf32, #tpu.memory_space<vmem>> -> memref<1x64x128xf32, #tpu.memory_space<vmem>>
    %dma_wait3A_346 = tpu.memref_squeeze %dma_wait3A_345 : memref<1x64x128xf32, #tpu.memory_space<vmem>> -> memref<64x128xf32, #tpu.memory_space<vmem>>
    tpu.wait_dma2 semaphore(%arg16 : memref<!tpu.dma_semaphore, #tpu.memory_space<semaphore_mem>>) src(%dma_wait3A_346 : memref<64x128xf32, #tpu.memory_space<vmem>>) dst(%dma_wait3A_342 : memref<64x128xf32, #tpu.memory_space<hbm>>)
    %add3A_347 = arith.constant 25216 : i32
    %add3A_348 = arith.addi %mul3A_2, %add3A_347 : i32
    %dma_wait3A_349 = arith.constant 2 : i32
    %dma_wait3A_350 = arith.constant 0 : i32
    %dma_wait3A_351 = arith.constant 0 : i32
    %dma_wait3A_352 = tpu.memref_slice %arg6[%dma_wait3A_349, %dma_wait3A_350, %dma_wait3A_351] : memref<8x64x128xf32, #tpu.memory_space<vmem>> -> memref<1x64x128xf32, #tpu.memory_space<vmem>>
    %dma_wait3A_353 = tpu.memref_squeeze %dma_wait3A_352 : memref<1x64x128xf32, #tpu.memory_space<vmem>> -> memref<64x128xf32, #tpu.memory_space<vmem>>
    %dma_wait3A_354 = arith.constant 0 : i32
    %dma_wait3A_355 = tpu.memref_slice %arg4[%add3A_348, %dma_wait3A_354] : memref<819200x128xf32, #tpu.memory_space<hbm>> -> memref<64x128xf32, #tpu.memory_space<hbm>>
    %dma_wait3A_356 = arith.constant 0 : i32
    %dma_wait3A_357 = tpu.memref_slice %arg4[%add3A_348, %dma_wait3A_356] : memref<819200x128xf32, #tpu.memory_space<hbm>> -> memref<64x128xf32, #tpu.memory_space<hbm>>
    %dma_wait3A_358 = arith.constant 0 : i32
    %dma_wait3A_359 = arith.constant 0 : i32
    %dma_wait3A_360 = tpu.memref_slice %arg6[%dma_wait3A_349, %dma_wait3A_358, %dma_wait3A_359] : memref<8x64x128xf32, #tpu.memory_space<vmem>> -> memref<1x64x128xf32, #tpu.memory_space<vmem>>
    %dma_wait3A_361 = tpu.memref_squeeze %dma_wait3A_360 : memref<1x64x128xf32, #tpu.memory_space<vmem>> -> memref<64x128xf32, #tpu.memory_space<vmem>>
    tpu.wait_dma2 semaphore(%arg17 : memref<!tpu.dma_semaphore, #tpu.memory_space<semaphore_mem>>) src(%dma_wait3A_361 : memref<64x128xf32, #tpu.memory_space<vmem>>) dst(%dma_wait3A_357 : memref<64x128xf32, #tpu.memory_space<hbm>>)
    %add3A_362 = arith.constant 25280 : i32
    %add3A_363 = arith.addi %mul3A_2, %add3A_362 : i32
    %dma_wait3A_364 = arith.constant 3 : i32
    %dma_wait3A_365 = arith.constant 0 : i32
    %dma_wait3A_366 = arith.constant 0 : i32
    %dma_wait3A_367 = tpu.memref_slice %arg6[%dma_wait3A_364, %dma_wait3A_365, %dma_wait3A_366] : memref<8x64x128xf32, #tpu.memory_space<vmem>> -> memref<1x64x128xf32, #tpu.memory_space<vmem>>
    %dma_wait3A_368 = tpu.memref_squeeze %dma_wait3A_367 : memref<1x64x128xf32, #tpu.memory_space<vmem>> -> memref<64x128xf32, #tpu.memory_space<vmem>>
    %dma_wait3A_369 = arith.constant 0 : i32
    %dma_wait3A_370 = tpu.memref_slice %arg4[%add3A_363, %dma_wait3A_369] : memref<819200x128xf32, #tpu.memory_space<hbm>> -> memref<64x128xf32, #tpu.memory_space<hbm>>
    %dma_wait3A_371 = arith.constant 0 : i32
    %dma_wait3A_372 = tpu.memref_slice %arg4[%add3A_363, %dma_wait3A_371] : memref<819200x128xf32, #tpu.memory_space<hbm>> -> memref<64x128xf32, #tpu.memory_space<hbm>>
    %dma_wait3A_373 = arith.constant 0 : i32
    %dma_wait3A_374 = arith.constant 0 : i32
    %dma_wait3A_375 = tpu.memref_slice %arg6[%dma_wait3A_364, %dma_wait3A_373, %dma_wait3A_374] : memref<8x64x128xf32, #tpu.memory_space<vmem>> -> memref<1x64x128xf32, #tpu.memory_space<vmem>>
    %dma_wait3A_376 = tpu.memref_squeeze %dma_wait3A_375 : memref<1x64x128xf32, #tpu.memory_space<vmem>> -> memref<64x128xf32, #tpu.memory_space<vmem>>
    tpu.wait_dma2 semaphore(%arg18 : memref<!tpu.dma_semaphore, #tpu.memory_space<semaphore_mem>>) src(%dma_wait3A_376 : memref<64x128xf32, #tpu.memory_space<vmem>>) dst(%dma_wait3A_372 : memref<64x128xf32, #tpu.memory_space<hbm>>)
    %add3A_377 = arith.constant 25344 : i32
    %add3A_378 = arith.addi %mul3A_2, %add3A_377 : i32
    %dma_wait3A_379 = arith.constant 4 : i32
    %dma_wait3A_380 = arith.constant 0 : i32
    %dma_wait3A_381 = arith.constant 0 : i32
    %dma_wait3A_382 = tpu.memref_slice %arg6[%dma_wait3A_379, %dma_wait3A_380, %dma_wait3A_381] : memref<8x64x128xf32, #tpu.memory_space<vmem>> -> memref<1x64x128xf32, #tpu.memory_space<vmem>>
    %dma_wait3A_383 = tpu.memref_squeeze %dma_wait3A_382 : memref<1x64x128xf32, #tpu.memory_space<vmem>> -> memref<64x128xf32, #tpu.memory_space<vmem>>
    %dma_wait3A_384 = arith.constant 0 : i32
    %dma_wait3A_385 = tpu.memref_slice %arg4[%add3A_378, %dma_wait3A_384] : memref<819200x128xf32, #tpu.memory_space<hbm>> -> memref<64x128xf32, #tpu.memory_space<hbm>>
    %dma_wait3A_386 = arith.constant 0 : i32
    %dma_wait3A_387 = tpu.memref_slice %arg4[%add3A_378, %dma_wait3A_386] : memref<819200x128xf32, #tpu.memory_space<hbm>> -> memref<64x128xf32, #tpu.memory_space<hbm>>
    %dma_wait3A_388 = arith.constant 0 : i32
    %dma_wait3A_389 = arith.constant 0 : i32
    %dma_wait3A_390 = tpu.memref_slice %arg6[%dma_wait3A_379, %dma_wait3A_388, %dma_wait3A_389] : memref<8x64x128xf32, #tpu.memory_space<vmem>> -> memref<1x64x128xf32, #tpu.memory_space<vmem>>
    %dma_wait3A_391 = tpu.memref_squeeze %dma_wait3A_390 : memref<1x64x128xf32, #tpu.memory_space<vmem>> -> memref<64x128xf32, #tpu.memory_space<vmem>>
    tpu.wait_dma2 semaphore(%arg19 : memref<!tpu.dma_semaphore, #tpu.memory_space<semaphore_mem>>) src(%dma_wait3A_391 : memref<64x128xf32, #tpu.memory_space<vmem>>) dst(%dma_wait3A_387 : memref<64x128xf32, #tpu.memory_space<hbm>>)
    %add3A_392 = arith.constant 25408 : i32
    %add3A_393 = arith.addi %mul3A_2, %add3A_392 : i32
    %dma_wait3A_394 = arith.constant 5 : i32
    %dma_wait3A_395 = arith.constant 0 : i32
    %dma_wait3A_396 = arith.constant 0 : i32
    %dma_wait3A_397 = tpu.memref_slice %arg6[%dma_wait3A_394, %dma_wait3A_395, %dma_wait3A_396] : memref<8x64x128xf32, #tpu.memory_space<vmem>> -> memref<1x64x128xf32, #tpu.memory_space<vmem>>
    %dma_wait3A_398 = tpu.memref_squeeze %dma_wait3A_397 : memref<1x64x128xf32, #tpu.memory_space<vmem>> -> memref<64x128xf32, #tpu.memory_space<vmem>>
    %dma_wait3A_399 = arith.constant 0 : i32
    %dma_wait3A_400 = tpu.memref_slice %arg4[%add3A_393, %dma_wait3A_399] : memref<819200x128xf32, #tpu.memory_space<hbm>> -> memref<64x128xf32, #tpu.memory_space<hbm>>
    %dma_wait3A_401 = arith.constant 0 : i32
    %dma_wait3A_402 = tpu.memref_slice %arg4[%add3A_393, %dma_wait3A_401] : memref<819200x128xf32, #tpu.memory_space<hbm>> -> memref<64x128xf32, #tpu.memory_space<hbm>>
    %dma_wait3A_403 = arith.constant 0 : i32
    %dma_wait3A_404 = arith.constant 0 : i32
    %dma_wait3A_405 = tpu.memref_slice %arg6[%dma_wait3A_394, %dma_wait3A_403, %dma_wait3A_404] : memref<8x64x128xf32, #tpu.memory_space<vmem>> -> memref<1x64x128xf32, #tpu.memory_space<vmem>>
    %dma_wait3A_406 = tpu.memref_squeeze %dma_wait3A_405 : memref<1x64x128xf32, #tpu.memory_space<vmem>> -> memref<64x128xf32, #tpu.memory_space<vmem>>
    tpu.wait_dma2 semaphore(%arg20 : memref<!tpu.dma_semaphore, #tpu.memory_space<semaphore_mem>>) src(%dma_wait3A_406 : memref<64x128xf32, #tpu.memory_space<vmem>>) dst(%dma_wait3A_402 : memref<64x128xf32, #tpu.memory_space<hbm>>)
    %add3A_407 = arith.constant 25472 : i32
    %add3A_408 = arith.addi %mul3A_2, %add3A_407 : i32
    %dma_wait3A_409 = arith.constant 6 : i32
    %dma_wait3A_410 = arith.constant 0 : i32
    %dma_wait3A_411 = arith.constant 0 : i32
    %dma_wait3A_412 = tpu.memref_slice %arg6[%dma_wait3A_409, %dma_wait3A_410, %dma_wait3A_411] : memref<8x64x128xf32, #tpu.memory_space<vmem>> -> memref<1x64x128xf32, #tpu.memory_space<vmem>>
    %dma_wait3A_413 = tpu.memref_squeeze %dma_wait3A_412 : memref<1x64x128xf32, #tpu.memory_space<vmem>> -> memref<64x128xf32, #tpu.memory_space<vmem>>
    %dma_wait3A_414 = arith.constant 0 : i32
    %dma_wait3A_415 = tpu.memref_slice %arg4[%add3A_408, %dma_wait3A_414] : memref<819200x128xf32, #tpu.memory_space<hbm>> -> memref<64x128xf32, #tpu.memory_space<hbm>>
    %dma_wait3A_416 = arith.constant 0 : i32
    %dma_wait3A_417 = tpu.memref_slice %arg4[%add3A_408, %dma_wait3A_416] : memref<819200x128xf32, #tpu.memory_space<hbm>> -> memref<64x128xf32, #tpu.memory_space<hbm>>
    %dma_wait3A_418 = arith.constant 0 : i32
    %dma_wait3A_419 = arith.constant 0 : i32
    %dma_wait3A_420 = tpu.memref_slice %arg6[%dma_wait3A_409, %dma_wait3A_418, %dma_wait3A_419] : memref<8x64x128xf32, #tpu.memory_space<vmem>> -> memref<1x64x128xf32, #tpu.memory_space<vmem>>
    %dma_wait3A_421 = tpu.memref_squeeze %dma_wait3A_420 : memref<1x64x128xf32, #tpu.memory_space<vmem>> -> memref<64x128xf32, #tpu.memory_space<vmem>>
    tpu.wait_dma2 semaphore(%arg21 : memref<!tpu.dma_semaphore, #tpu.memory_space<semaphore_mem>>) src(%dma_wait3A_421 : memref<64x128xf32, #tpu.memory_space<vmem>>) dst(%dma_wait3A_417 : memref<64x128xf32, #tpu.memory_space<hbm>>)
    %add3A_422 = arith.constant 25536 : i32
    %add3A_423 = arith.addi %mul3A_2, %add3A_422 : i32
    %dma_wait3A_424 = arith.constant 7 : i32
    %dma_wait3A_425 = arith.constant 0 : i32
    %dma_wait3A_426 = arith.constant 0 : i32
    %dma_wait3A_427 = tpu.memref_slice %arg6[%dma_wait3A_424, %dma_wait3A_425, %dma_wait3A_426] : memref<8x64x128xf32, #tpu.memory_space<vmem>> -> memref<1x64x128xf32, #tpu.memory_space<vmem>>
    %dma_wait3A_428 = tpu.memref_squeeze %dma_wait3A_427 : memref<1x64x128xf32, #tpu.memory_space<vmem>> -> memref<64x128xf32, #tpu.memory_space<vmem>>
    %dma_wait3A_429 = arith.constant 0 : i32
    %dma_wait3A_430 = tpu.memref_slice %arg4[%add3A_423, %dma_wait3A_429] : memref<819200x128xf32, #tpu.memory_space<hbm>> -> memref<64x128xf32, #tpu.memory_space<hbm>>
    %dma_wait3A_431 = arith.constant 0 : i32
    %dma_wait3A_432 = tpu.memref_slice %arg4[%add3A_423, %dma_wait3A_431] : memref<819200x128xf32, #tpu.memory_space<hbm>> -> memref<64x128xf32, #tpu.memory_space<hbm>>
    %dma_wait3A_433 = arith.constant 0 : i32
    %dma_wait3A_434 = arith.constant 0 : i32
    %dma_wait3A_435 = tpu.memref_slice %arg6[%dma_wait3A_424, %dma_wait3A_433, %dma_wait3A_434] : memref<8x64x128xf32, #tpu.memory_space<vmem>> -> memref<1x64x128xf32, #tpu.memory_space<vmem>>
    %dma_wait3A_436 = tpu.memref_squeeze %dma_wait3A_435 : memref<1x64x128xf32, #tpu.memory_space<vmem>> -> memref<64x128xf32, #tpu.memory_space<vmem>>
    tpu.wait_dma2 semaphore(%arg22 : memref<!tpu.dma_semaphore, #tpu.memory_space<semaphore_mem>>) src(%dma_wait3A_436 : memref<64x128xf32, #tpu.memory_space<vmem>>) dst(%dma_wait3A_432 : memref<64x128xf32, #tpu.memory_space<hbm>>)
    return
  }
}

</mosaic_0001>

<sc_bundles>
// kernel: kernel.3.cloned.1.call-start
scs
__scs_entry_jumppad:
0x0: {  	(pc) =	sbr.rel $0x88, $3  }
0x1: {  	(tag) =	ssettag $0x0;
	lr =	simm.s32 $0x1  }
0x2: {  	[smem:$0x3F9F] =	sst lr;
	_ =	strace $0xD0000000  }
0x3: {  	_ = 	snop  }
0x4: {  	_ = 	snop  }
0x5: {  	_ = 	snop  }
0x6: {  	_ = 	snop  }
0x7: {  	_ = 	snop  }
__scs_overlays_trampoline_lowered:
0x8: {  	[smem:$0x3FAE] =	sst s0  }
0x9: {  	[smem:$0x3FAF] =	sst s1  }
0xa: {  	[smem:$0x3FB0] =	sst s2  }
0xb: {  	[smem:$0x3FB1] =	sst s3  }
0xc: {  	[smem:$0x3FB2] =	sst s4  }
0xd: {  	[smem:$0x3FB3] =	sst s5  }
0xe: {  	[smem:$0x3FB4] =	sst s6  }
0xf: {  	[smem:$0x3FB5] =	sst s7  }
0x10: {  	[smem:$0x3FB6] =	sst s8  }
0x11: {  	[smem:$0x3FB7] =	sst s9;
	s0 =	simm.s32 @!p0 $0x0  }
0x12: {  	s1 =	sld [smem:$0x3F9D];
	s0 =	simm.s32 @p0 $0x1  }
0x13: {  	[smem:$0x3FB8] =	sst s0;
	s0 =	simm.s32 @!p1 $0x0  }
0x14: {  	s2 =	sld [smem:$0x3F9C];
	s0 =	simm.s32 @p1 $0x1  }
0x15: {  	[smem:$0x3FB9] =	sst s0;
	s0 =	simm.s32 @!p2 $0x0  }
0x16: {  	s3 =	sld [smem:$0x3FDB];
	s0 =	simm.s32 @p2 $0x1  }
0x17: {  	s4 =	simm.s32 $0x1BF5;
	[smem:$0x3FBB] =	sst s0  }
0x18: {  	s0 =	sld [smem:$0x3F9E];
	_ =	swait.ge [sflag:s4], $0x0  }
0x19: {  	s7 =	sld [smem:$0x3F9F]  }
0x1a: {  	s8 =	sadd.s32 $0xFFFFE003, lr  }
0x1b: {  	s9 =	sadd.s32 $0xFFFFFEF7, lr;
	s5 =	simm.s32 $0xFFFFFFFF;
	p2 =	slt.u32 s8, $0xFFFFF086  }
0x1c: {  	p1 =	slt.u32 s9, $0xF7A;
	s5 =	simm.s32 @!p2 $0x0  }
0x1d: {  	s5 =	simm.s32 @p1 $0x1;
	p0 =	seq.s32 s7, s2  }
0x1e: {  	s7 =	smul.u32 @!p0 $0xF7A, s2;
	p2 =	seq.s32 @!p0 s5, $0x0  }
0x1f: {  	s9 =	smul.u32 $0xF7A, s1;
	s8 =	simm.s32 @!p0 $0x1BF5;
	p2 =	por !p2, p0  }
0x20: {  	[sflag:s8] =	ssyncset.s32 @!p0 $0xFFFFF086;
	s6 =	sadd.s32 @!p0 s3, s7;
	s7 =	simm.s32 @!p0 $0x108  }
0x21: {  	s3 =	sadd.s32 s3, s9;
	s6 =	sadd.s32 @!p0 $0x88, s6;
	s7 =	simm.s32 @p2 $0x1082  }
0x22: {  	[simem:s7], [sflag:s8] =	dma.local @!p0 [hbm:s6], $0xF7A  }
0x23: {  	s9 =	sor.u32 $0xD0000000, s2;
	s6 =	simm.s32 $0x108;
	_ =	swait.ge @!p0 [sflag:s8], $0x0  }
0x24: {  	s3 =	sadd.s32 $0x88, s3;
	s6 =	simm.s32 @!p1 $0x1082;
	[sflag:s4] =	ssyncset.s32 $0xFFFFF086  }
0x25: {  	[simem:s6], [sflag:s4] =	dma.local [hbm:s3], $0xF7A  }
0x26: {  	[smem:$0x3F9F] =	sst s1;
	(tag) =	ssettag s2;
	_ =	strace s9  }
0x27: {  	s1 =	sld [smem:$0x3FAF]  }
0x28: {  	s2 =	sld [smem:$0x3FB0]  }
0x29: {  	s4 =	sld [smem:$0x3FB2]  }
0x2a: {  	p0 =	seq.s32 s5, $0x0;
	s5 =	sld [smem:$0x3FB3]  }
0x2b: {  	s6 =	sld [smem:$0x3FB4]  }
0x2c: {  	s7 =	sld [smem:$0x3FB5]  }
0x2d: {  	s3 =	simm.s32 $0x108;
	s8 =	sld [smem:$0x3FB6]  }
0x2e: {  	s3 =	simm.s32 @!p0 $0x1082;
	s9 =	sld [smem:$0x3FB7]  }
0x2f: {  	lr =	sadd.s32 s0, s3;
	s0 =	sld [smem:$0x3FAE]  }
0x30: {  	s3 =	sld [smem:$0x3FB1]  }
0x31: {  	[smem:$0x3FBA] =	sst s10  }
0x32: {  	s10 =	sld [smem:$0x3FB8];
	_ =	sdelay $0x3  }
0x33: {  	p0 =	seq.s32 s10, $0x1;
	s10 =	sld [smem:$0x3FBA];
	_ =	sdelay $0x3  }
0x34: {  	[smem:$0x3FBA] =	sst s10  }
0x35: {  	s10 =	sld [smem:$0x3FB9];
	_ =	sdelay $0x3  }
0x36: {  	p1 =	seq.s32 s10, $0x1;
	s10 =	sld [smem:$0x3FBA];
	_ =	sdelay $0x3  }
0x37: {  	[smem:$0x3FBA] =	sst s10  }
0x38: {  	s10 =	sld [smem:$0x3FBB]  }
0x39: {  	_ = 	snop;
	(pc) =	sbr.ind lr, $3  }
0x3a: {  	_ = 	snop  }
0x3b: {  	_ = 	snop  }
0x3c: {  	p2 =	seq.s32 s10, $0x1;
	s10 =	sld [smem:$0x3FBA]  }
0x3d: {  	_ =	shalt  }
0x3e: {  	_ =	shalt  }
0x3f: {  	_ =	shalt  }
0x40: {  	_ =	shalt  }
0x41: {  	_ =	shalt  }
0x42: {  	_ =	shalt  }
0x43: {  	_ =	shalt  }
0x44: {  	_ =	shalt  }
0x45: {  	_ =	shalt  }
0x46: {  	_ =	shalt  }
0x47: {  	_ =	shalt  }
0x48: {  	_ =	shalt  }
0x49: {  	_ =	shalt  }
0x4a: {  	_ =	shalt  }
0x4b: {  	_ =	shalt  }
0x4c: {  	_ =	shalt  }
0x4d: {  	_ =	shalt  }
0x4e: {  	_ =	shalt  }
0x4f: {  	_ =	shalt  }
0x50: {  	_ =	shalt  }
0x51: {  	_ =	shalt  }
0x52: {  	_ =	shalt  }
0x53: {  	_ =	shalt  }
0x54: {  	_ =	shalt  }
0x55: {  	_ =	shalt  }
0x56: {  	_ =	shalt  }
0x57: {  	_ =	shalt  }
0x58: {  	_ =	shalt  }
0x59: {  	_ =	shalt  }
0x5a: {  	_ =	shalt  }
0x5b: {  	_ =	shalt  }
0x5c: {  	_ =	shalt  }
0x5d: {  	_ =	shalt  }
0x5e: {  	_ =	shalt  }
0x5f: {  	_ =	shalt  }
0x60: {  	_ =	shalt  }
0x61: {  	_ =	shalt  }
0x62: {  	_ =	shalt  }
0x63: {  	_ =	shalt  }
0x64: {  	_ =	shalt  }
0x65: {  	_ =	shalt  }
0x66: {  	_ =	shalt  }
0x67: {  	_ =	shalt  }
0x68: {  	_ =	shalt  }
0x69: {  	_ =	shalt  }
0x6a: {  	_ =	shalt  }
0x6b: {  	_ =	shalt  }
0x6c: {  	_ =	shalt  }
0x6d: {  	_ =	shalt  }
0x6e: {  	_ =	shalt  }
0x6f: {  	_ =	shalt  }
0x70: {  	_ =	shalt  }
0x71: {  	_ =	shalt  }
0x72: {  	_ =	shalt  }
0x73: {  	_ =	shalt  }
0x74: {  	_ =	shalt  }
0x75: {  	_ =	shalt  }
0x76: {  	_ =	shalt  }
0x77: {  	_ =	shalt  }
0x78: {  	_ =	shalt  }
0x79: {  	_ =	shalt  }
0x7a: {  	_ =	shalt  }
0x7b: {  	_ =	shalt  }
0x7c: {  	_ =	shalt  }
0x7d: {  	_ =	shalt  }
0x7e: {  	_ =	shalt  }
0x7f: {  	_ =	shalt  }
0x80: {  	_ =	shalt  }
0x81: {  	_ =	shalt  }
0x82: {  	_ =	shalt  }
0x83: {  	_ =	shalt  }
0x84: {  	_ =	shalt  }
0x85: {  	_ =	shalt  }
0x86: {  	_ =	shalt  }
0x87: {  	_ =	shalt  }
.Lfunc_end0:
.L_simem_size_0:
called_computation_lowered:
.L_overlay_start_0:
0x88: {  	s2 =	sld [smem:$0x3FD9]  }
0x89: {  	s3 =	sld [smem:$0x3FFE];
	_ =	sdelay $0x1  }
0x8a: {  	s1 =	srdreg.scid  }
0x8b: {  	s0 =	sand.u32 $0x1, s1  }
0x8c: {  	s17 =	sshll.u32 s0, $0xA;
	s2 =	sadd.s32 s3, s2  }
0x8d: {  	s2 =	sadd.s32 s2, s17  }
0x8e: {  	[smem:$0x3FC6] =	sst s2  }
0x8f: {  	_ = 	snop  }
0x90: {  	s2 =	sld [smem:$0x3FC8]  }
0x91: {  	s18 =	sld [smem:$0x3FD0];
	(tm) =	ssettm $0x1  }
0x92: {  	s4 =	sld [smem:$0x3FFB];
	_ =	sdelay $0x3  }
0x93: {  	_ =	strace s4  }
0x94: {  	s4 =	sld [smem:$0x3FFC];
	_ =	sdelay $0x3  }
0x95: {  	_ =	strace s4  }
0x96: {  	s4 =	sld [smem:$0x3FFD];
	_ =	sdelay $0x3  }
0x97: {  	_ =	strace s4  }
0x98: {  	_ =	strace $0x8FFFFFFF  }
0x99: {  	s19 =	sld [smem:$0x3FDB];
	_ =	sdelay $0x1  }
0x9a: {  	s5 =	simm.s32 $_scs_section_size  }
0x9b: {  	s6 =	simm.s32 $_size__tile_overlayer_lowered;
	s7 =	simm.s32 $_tile_overlayer_lowered  }
0x9c: {  	s22 =	simm.s32 $0x1BFF;
	s21 =	sshll.u32 s7, $0x1;
	s4 =	sadd.s32 s5, s19  }
0x9d: {  	s8 =	simm.s32 $0x0;
	s20 =	sshll.u32 s6, $0x1;
	s6 =	sadd.s32 s21, s4  }
0x9e: {  	[timem:s8], [sflag:s22] =	dma.local [hbm:s6], s20  }
0x9f: {  	_ =	swait.ge [sflag:s22], s20  }
0xa0: {  	s5 =	ssub.s32 $0x0, s20;
	[sflag:s22] =	ssyncset.done $0x0  }
0xa1: {  	[sflag:s22] =	ssyncadd.s32 s5;
	_ =	sdelay $0x1  }
0xa2: {  	s23 =	simm.s32 $0x1B8B  }
0xa3: {  	_ =	swait.ge [sflag:s23], $0x1  }
0xa4: {  	[sflag:s23] =	ssyncset.done $0x0  }
0xa5: {  	s25 =	simm.s32 $0x1B8E;
	s24 =	sld [smem:$0x3FFE];
	[sflag:s23] =	ssyncadd.s32 $0xFFFFFFFF  }
0xa6: {  	s26 =	simm.s32 $execute0_lowered;
	[smem:$0x3FD2] =	sst s25  }
0xa7: {  	s6 =	sshll.u32 s26, $0x1;
	_ =	strace $0x80000046;
	[dreg:$0x1] =	wrdreg $0xFFFFFFFF  }
0xa8: {  	s28 =	simm.s32 $_size_execute0_lowered;
	s4 =	sadd.s32 s4, s6;
	[dreg:$0x0] =	wrdreg $0x0  }
0xa9: {  	s6 =	sshll.u32 s28, $0x1;
	[dreg:$0x2] =	wrdreg s4  }
0xaa: {  	[dreg:$0x3] =	wrdreg s6  }
0xab: {  	[dreg:$0x4] =	wrdreg $0xC0  }
0xac: {  	_ =	task [dreg:s8], $0x5FFFF  }
0xad: {  	[dreg:$0x1] =	wrdreg $0xFFFFFFFF  }
0xae: {  	[dreg:$0x0] =	wrdreg $0x60  }
0xaf: {  	[dreg:$0x2] =	wrdreg s24  }
0xb0: {  	[dreg:$0x3] =	wrdreg s2  }
0xb1: {  	[dreg:$0x4] =	wrdreg s18  }
0xb2: {  	[dreg:$0x5] =	wrdreg $0x9  }
0xb3: {  	_ =	task.clear_ibuf [dreg:s8], $0x6FFFF;
	_ =	strace $0x90000046  }
0xb4: {  	s29 =	simm.s32 $0x9;
	_ =	strace $0x80000048  }
0xb5: {  	_ =	swait.ge [sflag:s29], $0x1  }
0xb6: {  	[sflag:s29] =	ssyncadd.s32 $0xFFFFFFFF  }
0xb7: {  	_ =	strace $0x90000048  }
0xb8: {  	_ =	sfence  }
0xb9: {  	s30 =	sld [smem:$0x0];
	_ =	sdelay $0x2  }
0xba: {  	s31 =	sshll.u32 s1, $0xD;
	s1 =	sshrl.u32 s1, $0x2  }
0xbb: {  	s3 =	sand.u32 $0x4000, s31;
	s1 =	sadd.s32 s1, s30  }
0xbc: {  	s0 =	sor.u32 s3, s0;
	s1 =	sshll.u32 s1, $0x11  }
0xbd: {  	s0 =	sor.u32 s1, s0  }
0xbe: {  	s0 =	sadd.s32 $0x8F2B, s0  }
0xbf: {  	[sflag:s0] =	ssyncadd.remote.s32 $0x1  }
0xc0: {  	_ =	sfence.sel $0xFFFF  }
0xc1: {  	[dreg:$0x0] =	wrdreg $0xFFFFFFFF;
	(pc) =	sbr.abs _section_cstart, $3  }
0xc2: {  	[dreg:$0x1] =	wrdreg $0xFFFFFFFF  }
0xc3: {  	_ =	task.clear_ibuf [dreg:s8], $0x2FFFF;
	_ =	strace $0x9FFFFFFF  }
0xc4: {  	(tm) =	ssettm $0x7FFFFFFF  }
0xc5: {  	_ =	shalt  }
tec
execute0_lowered:
.L_overlay_start_1:
0x0: {  	(tag) =	ssettag $0x1  }
0x1: {  	s0 =	rddreg [dreg:$0x0]  }
0x2: {  	s1 =	srdreg.scid;
	s2 =	rddreg [dreg:$0x1]  }
0x3: {  	s8 =	stileid.u32;
	s4 =	rddreg [dreg:$0x2];
	s15 =	simm.s32 $0x40  }
0x4: {  	s28 =	simm.s32 $0xC;
	s1 =	sand.u32 $0x1, s1;
	s3 =	sshll.u32 s8, $0x1  }
0x5: {  	s30 =	simm.s32 $0x5;
	s18 =	smul.u32 $0x640000, s8;
	s5 =	sor.u32 s1, s3  }
0x6: {  	s10 =	simm.s32 $0x10;
	s3 =	simm.s32 $0x0;
	s6 =	smul.u32 $0x1900, s5  }
0x7: {  	s7 =	ssub.s32 $0x2, s1;
	[smem:$0x7FF] =	sst s3;
	s5 =	smul.u32 $0x320000, s5  }
0x8: {  	s17 =	sshrl.u32 s7, $0x1;
	_ =	strace $0x80000047;
	s0 =	sadd.s32 s6, s0  }
0x9: {  	s5 =	sshrl.u32 s5, $0x3;
	s6 =	ssub.s32 s7, s17;
	s0 =	sadd.s32 $0x400, s0  }
0xa: {  	s5 =	sadd.s32 s4, s5;
	s31 =	smax.u32 s6, $0x1;
	[dreg:$0x6] =	wrdreg s0  }
0xb: {  	s24 =	smul.u32 $0xC8000, s8;
	s19 =	sadd.s32 $0x62000, s5;
	[dreg:$0xf] =	wrdreg s31  }
0xc: {  	s8 =	simm.s32 $0xF;
	s9 =	sadd.s32 $0x62400, s5;
	[dreg:$0x7] =	wrdreg s19  }
0xd: {  	s20 =	smul.u32 $0x320000, s1;
	s21 =	sadd.s32 $0x62800, s5;
	[dreg:$0x8] =	wrdreg s9  }
0xe: {  	s1 =	smul.u32 $0x64000, s1;
	s22 =	sadd.s32 $0x62C00, s5;
	[dreg:$0x9] =	wrdreg s21  }
0xf: {  	s17 =	simm.s32 $0x2;
	s23 =	sadd.s32 $0x63000, s5;
	[dreg:$0xa] =	wrdreg s22  }
0x10: {  	s7 =	simm.s32 $0x7;
	s25 =	sadd.s32 $0x63400, s5;
	[dreg:$0xb] =	wrdreg s23  }
0x11: {  	s6 =	simm.s32 $0xE;
	s26 =	sadd.s32 $0x63800, s5;
	[dreg:$0xc] =	wrdreg s25  }
0x12: {  	s0 =	sadd.s32 s20, s18;
	s5 =	sadd.s32 $0x63C00, s5;
	[dreg:$0xd] =	wrdreg s26  }
0x13: {  	s0 =	sshrl.u32 s0, $0x3;
	[dreg:$0xe] =	wrdreg s5;
	s19 =	simm.s32 $0xA  }
0x14: {  	s21 =	simm.s32 $0x3;
	s23 =	simm.s32 $0xB;
	s25 =	simm.s32 $0x4  }
0x15: {  	s5 =	simm.s32 $0x6;
	s0 =	sadd.s32 s0, s4;
	s4 =	sadd.s32 s24, s4  }
0x16: {  	s9 =	simm.s32 $0x8;
	[dreg:$0x4] =	wrdreg s0;
	s29 =	sadd.s32 s1, s4  }
0x17: {  	s4 =	simm.s32 $0xD;
	s0 =	simm.s32 $0x0;
	[dreg:$0x5] =	wrdreg s29  }
.LBB2_1:
0x18: {  	[dreg:$0x10] =	wrdreg s0  }
0x19: {  	s11 =	rddreg [dreg:$0x6];
	s13 =	simm.s32 $0x11  }
0x1a: {  	[tilespmem:s3], [sflag:$0x11] =	stream.linear.gather [hbm4b:s11+s3], $0xC800, $0x38;
	[tilespmem:$0x1C800] =	vst v63  }
0x1b: {  	_ =	swait.ge [sflag:s13], $0xC800  }
0x1c: {  	[sflag:s13] =	ssyncset.done $0x0  }
0x1d: {  	s12 =	simm.s32 $0xC800;
	[sflag:s13] =	ssyncadd.s32 $0xFFFF3800  }
0x1e: {  	[tilespmem:s12], [sflag:$0x1] =	stream.indirect.gather [hbm4b:s2+s15], $0x80, s3, s15, $0xb8;
	[tilespmem:$0x1C800] =	vst v63  }
0x1f: {  	s14 =	simm.s32 $0x80;
	s13 =	simm.s32 $0xE800  }
0x20: {  	[tilespmem:s13], [sflag:$0x2] =	stream.indirect.gather [hbm4b:s2+s15], $0x80, s14, s15, $0xb8;
	[tilespmem:$0x1C800] =	vst v63  }
0x21: {  	s16 =	simm.s32 $0x100;
	s14 =	simm.s32 $0x10800  }
0x22: {  	[tilespmem:s14], [sflag:$0x3] =	stream.indirect.gather [hbm4b:s2+s15], $0x80, s16, s15, $0xb8;
	[tilespmem:$0x1C800] =	vst v63  }
0x23: {  	s18 =	simm.s32 $0x180;
	s16 =	simm.s32 $0x12800  }
0x24: {  	[tilespmem:s16], [sflag:$0x4] =	stream.indirect.gather [hbm4b:s2+s15], $0x80, s18, s15, $0xb8;
	[tilespmem:$0x1C800] =	vst v63  }
0x25: {  	s20 =	simm.s32 $0x200;
	s18 =	simm.s32 $0x14800  }
0x26: {  	[tilespmem:s18], [sflag:$0x5] =	stream.indirect.gather [hbm4b:s2+s15], $0x80, s20, s15, $0xb8;
	[tilespmem:$0x1C800] =	vst v63  }
0x27: {  	s22 =	simm.s32 $0x280;
	s20 =	simm.s32 $0x16800  }
0x28: {  	[tilespmem:s20], [sflag:$0x6] =	stream.indirect.gather [hbm4b:s2+s15], $0x80, s22, s15, $0xb8;
	[tilespmem:$0x1C800] =	vst v63  }
0x29: {  	s24 =	simm.s32 $0x300;
	s22 =	simm.s32 $0x18800  }
0x2a: {  	[tilespmem:s22], [sflag:$0x7] =	stream.indirect.gather [hbm4b:s2+s15], $0x80, s24, s15, $0xb8;
	[tilespmem:$0x1C800] =	vst v63  }
0x2b: {  	s1 =	simm.s32 $0x380;
	s0 =	simm.s32 $0x1A800;
	s26 =	simm.s32 $0x1  }
0x2c: {  	[tilespmem:s0], [sflag:$0x8] =	stream.indirect.gather [hbm4b:s2+s15], $0x80, s1, s15, $0xb8;
	[tilespmem:$0x1C800] =	vst v63  }
0x2d: {  	_ =	swait.ge [sflag:s26], $0x2000  }
0x2e: {  	s29 =	rddreg [dreg:$0x4];
	[sflag:s26] =	ssyncset.done $0x0  }
0x2f: {  	s31 =	simm.s32 $0x9;
	[sflag:s26] =	ssyncadd.s32 $0xFFFFE000;
	s11 =	sadd.s32 $0x0, s29  }
0x30: {  	[hbm4b:s11+s3] =	stream.linear.scatter [tilespmem:s12], [sflag:$0x9], $0x2000, $0x38;
	[tilespmem:$0x1C800] =	vst v63  }
0x31: {  	_ =	swait.ge [sflag:s31], $0x2000  }
0x32: {  	[sflag:s31] =	ssyncset.done $0x0  }
0x33: {  	s1 =	simm.s32 $0x400;
	[sflag:s31] =	ssyncadd.s32 $0xFFFFE000  }
0x34: {  	[tilespmem:s12], [sflag:$0x1] =	stream.indirect.gather [hbm4b:s2+s15], $0x80, s1, s15, $0xb8;
	[tilespmem:$0x1C800] =	vst v63  }
0x35: {  	_ =	swait.ge [sflag:s17], $0x2000  }
0x36: {  	s12 =	rddreg [dreg:$0x5]  }
0x37: {  	[sflag:s17] =	ssyncset.done $0x0;
	s11 =	sadd.s32 $0x0, s12  }
0x38: {  	[sflag:s17] =	ssyncadd.s32 $0xFFFFE000;
	s24 =	sadd.s32 $0x400, s11  }
0x39: {  	[hbm4b:s24+s3] =	stream.linear.scatter [tilespmem:s13], [sflag:$0xA], $0x2000, $0x38;
	[tilespmem:$0x1C800] =	vst v63  }
0x3a: {  	_ =	swait.ge [sflag:s19], $0x2000  }
0x3b: {  	[sflag:s19] =	ssyncset.done $0x0  }
0x3c: {  	s26 =	simm.s32 $0x480;
	[sflag:s19] =	ssyncadd.s32 $0xFFFFE000  }
0x3d: {  	[tilespmem:s13], [sflag:$0x2] =	stream.indirect.gather [hbm4b:s2+s15], $0x80, s26, s15, $0xb8;
	[tilespmem:$0x1C800] =	vst v63  }
0x3e: {  	_ =	swait.ge [sflag:s21], $0x2000  }
0x3f: {  	[sflag:s21] =	ssyncset.done $0x0  }
0x40: {  	s29 =	sadd.s32 $0x800, s11;
	[sflag:s21] =	ssyncadd.s32 $0xFFFFE000  }
0x41: {  	[hbm4b:s29+s3] =	stream.linear.scatter [tilespmem:s14], [sflag:$0xB], $0x2000, $0x38;
	[tilespmem:$0x1C800] =	vst v63  }
0x42: {  	_ =	swait.ge [sflag:s23], $0x2000  }
0x43: {  	[sflag:s23] =	ssyncset.done $0x0  }
0x44: {  	s31 =	simm.s32 $0x500;
	[sflag:s23] =	ssyncadd.s32 $0xFFFFE000  }
0x45: {  	[tilespmem:s14], [sflag:$0x3] =	stream.indirect.gather [hbm4b:s2+s15], $0x80, s31, s15, $0xb8;
	[tilespmem:$0x1C800] =	vst v63  }
0x46: {  	_ =	swait.ge [sflag:s25], $0x2000  }
0x47: {  	[sflag:s25] =	ssyncset.done $0x0  }
0x48: {  	s1 =	sadd.s32 $0xC00, s11;
	[sflag:s25] =	ssyncadd.s32 $0xFFFFE000  }
0x49: {  	[hbm4b:s1+s3] =	stream.linear.scatter [tilespmem:s16], [sflag:$0xC], $0x2000, $0x38;
	[tilespmem:$0x1C800] =	vst v63  }
0x4a: {  	_ =	swait.ge [sflag:s28], $0x2000  }
0x4b: {  	[sflag:s28] =	ssyncset.done $0x0  }
0x4c: {  	s13 =	simm.s32 $0x580;
	[sflag:s28] =	ssyncadd.s32 $0xFFFFE000  }
0x4d: {  	[tilespmem:s16], [sflag:$0x4] =	stream.indirect.gather [hbm4b:s2+s15], $0x80, s13, s15, $0xb8;
	[tilespmem:$0x1C800] =	vst v63  }
0x4e: {  	_ =	swait.ge [sflag:s30], $0x2000  }
0x4f: {  	[sflag:s30] =	ssyncset.done $0x0  }
0x50: {  	s14 =	sadd.s32 $0x1000, s11;
	[sflag:s30] =	ssyncadd.s32 $0xFFFFE000  }
0x51: {  	[hbm4b:s14+s3] =	stream.linear.scatter [tilespmem:s18], [sflag:$0xD], $0x2000, $0x38;
	[tilespmem:$0x1C800] =	vst v63  }
0x52: {  	_ =	swait.ge [sflag:s4], $0x2000  }
0x53: {  	[sflag:s4] =	ssyncset.done $0x0  }
0x54: {  	s16 =	simm.s32 $0x600;
	[sflag:s4] =	ssyncadd.s32 $0xFFFFE000  }
0x55: {  	[tilespmem:s18], [sflag:$0x5] =	stream.indirect.gather [hbm4b:s2+s15], $0x80, s16, s15, $0xb8;
	[tilespmem:$0x1C800] =	vst v63  }
0x56: {  	_ =	swait.ge [sflag:s5], $0x2000  }
0x57: {  	[sflag:s5] =	ssyncset.done $0x0  }
0x58: {  	s24 =	sadd.s32 $0x1400, s11;
	[sflag:s5] =	ssyncadd.s32 $0xFFFFE000  }
0x59: {  	[hbm4b:s24+s3] =	stream.linear.scatter [tilespmem:s20], [sflag:$0xE], $0x2000, $0x38;
	[tilespmem:$0x1C800] =	vst v63  }
0x5a: {  	_ =	swait.ge [sflag:s6], $0x2000  }
0x5b: {  	[sflag:s6] =	ssyncset.done $0x0  }
0x5c: {  	s26 =	simm.s32 $0x680;
	[sflag:s6] =	ssyncadd.s32 $0xFFFFE000  }
0x5d: {  	[tilespmem:s20], [sflag:$0x6] =	stream.indirect.gather [hbm4b:s2+s15], $0x80, s26, s15, $0xb8;
	[tilespmem:$0x1C800] =	vst v63  }
0x5e: {  	_ =	swait.ge [sflag:s7], $0x2000  }
0x5f: {  	[sflag:s7] =	ssyncset.done $0x0  }
0x60: {  	s29 =	sadd.s32 $0x1800, s11;
	[sflag:s7] =	ssyncadd.s32 $0xFFFFE000  }
0x61: {  	[hbm4b:s29+s3] =	stream.linear.scatter [tilespmem:s22], [sflag:$0xF], $0x2000, $0x38;
	[tilespmem:$0x1C800] =	vst v63  }
0x62: {  	_ =	swait.ge [sflag:s8], $0x2000  }
0x63: {  	[sflag:s8] =	ssyncset.done $0x0  }
0x64: {  	s31 =	simm.s32 $0x700;
	[sflag:s8] =	ssyncadd.s32 $0xFFFFE000  }
0x65: {  	[tilespmem:s22], [sflag:$0x7] =	stream.indirect.gather [hbm4b:s2+s15], $0x80, s31, s15, $0xb8;
	[tilespmem:$0x1C800] =	vst v63  }
0x66: {  	_ =	swait.ge [sflag:s9], $0x2000  }
0x67: {  	[sflag:s9] =	ssyncset.done $0x0  }
0x68: {  	s11 =	sadd.s32 $0x1C00, s11;
	[sflag:s9] =	ssyncadd.s32 $0xFFFFE000  }
0x69: {  	[hbm4b:s11+s3] =	stream.linear.scatter [tilespmem:s0], [sflag:$0x10], $0x2000, $0x38;
	[tilespmem:$0x1C800] =	vst v63  }
0x6a: {  	_ =	swait.ge [sflag:s10], $0x2000  }
0x6b: {  	s12 =	simm.s32 $0x780;
	[sflag:s10] =	ssyncset.done $0x0  }
0x6c: {  	s13 =	simm.s32 $0x2000;
	s14 =	simm.s32 $0xB80;
	[sflag:s10] =	ssyncadd.s32 $0xFFFFE000  }
.LBB2_2:
0x6d: {  	s0 =	simm.s32 $0x1A800;
	s1 =	simm.s32 $0x1  }
0x6e: {  	[tilespmem:s0], [sflag:$0x8] =	stream.indirect.gather [hbm4b:s2+s15], $0x80, s12, s15, $0xb8;
	[tilespmem:$0x1C800] =	vst v63  }
0x6f: {  	s11 =	smov.u32 s13;
	_ =	swait.ge [sflag:s1], $0x2000  }
0x70: {  	s20 =	simm.s32 $0xC800;
	s16 =	rddreg [dreg:$0x4];
	[sflag:s1] =	ssyncset.done $0x0  }
0x71: {  	s26 =	simm.s32 $0x9;
	[sflag:s1] =	ssyncadd.s32 $0xFFFFE000;
	s16 =	sadd.s32 s11, s16  }
0x72: {  	[hbm4b:s16+s3] =	stream.linear.scatter [tilespmem:s20], [sflag:$0x9], $0x2000, $0x38;
	[tilespmem:$0x1C800] =	vst v63  }
0x73: {  	_ =	swait.ge [sflag:s26], $0x2000  }
0x74: {  	[sflag:s26] =	ssyncset.done $0x0  }
0x75: {  	s1 =	sadd.s32 $0xFFFFFC80, s14;
	[sflag:s26] =	ssyncadd.s32 $0xFFFFE000  }
0x76: {  	[tilespmem:s20], [sflag:$0x1] =	stream.indirect.gather [hbm4b:s2+s15], $0x80, s1, s15, $0xb8;
	[tilespmem:$0x1C800] =	vst v63  }
0x77: {  	_ =	swait.ge [sflag:s17], $0x2000  }
0x78: {  	s22 =	rddreg [dreg:$0x5]  }
0x79: {  	[sflag:s17] =	ssyncset.done $0x0;
	s11 =	sadd.s32 s11, s22  }
0x7a: {  	[sflag:s17] =	ssyncadd.s32 $0xFFFFE000;
	s22 =	simm.s32 $0xE800;
	s16 =	sadd.s32 $0x400, s11  }
0x7b: {  	[hbm4b:s16+s3] =	stream.linear.scatter [tilespmem:s22], [sflag:$0xA], $0x2000, $0x38;
	[tilespmem:$0x1C800] =	vst v63  }
0x7c: {  	_ =	swait.ge [sflag:s19], $0x2000  }
0x7d: {  	[sflag:s19] =	ssyncset.done $0x0  }
0x7e: {  	s24 =	sadd.s32 $0xFFFFFD00, s14;
	[sflag:s19] =	ssyncadd.s32 $0xFFFFE000  }
0x7f: {  	[tilespmem:s22], [sflag:$0x2] =	stream.indirect.gather [hbm4b:s2+s15], $0x80, s24, s15, $0xb8;
	[tilespmem:$0x1C800] =	vst v63  }
0x80: {  	_ =	swait.ge [sflag:s21], $0x2000  }
0x81: {  	[sflag:s21] =	ssyncset.done $0x0  }
0x82: {  	s26 =	sadd.s32 $0x800, s11;
	s24 =	simm.s32 $0x10800;
	[sflag:s21] =	ssyncadd.s32 $0xFFFFE000  }
0x83: {  	[hbm4b:s26+s3] =	stream.linear.scatter [tilespmem:s24], [sflag:$0xB], $0x2000, $0x38;
	[tilespmem:$0x1C800] =	vst v63  }
0x84: {  	_ =	swait.ge [sflag:s23], $0x2000  }
0x85: {  	[sflag:s23] =	ssyncset.done $0x0  }
0x86: {  	s1 =	sadd.s32 $0xFFFFFD80, s14;
	[sflag:s23] =	ssyncadd.s32 $0xFFFFE000  }
0x87: {  	[tilespmem:s24], [sflag:$0x3] =	stream.indirect.gather [hbm4b:s2+s15], $0x80, s1, s15, $0xb8;
	[tilespmem:$0x1C800] =	vst v63  }
0x88: {  	_ =	swait.ge [sflag:s25], $0x2000  }
0x89: {  	[sflag:s25] =	ssyncset.done $0x0  }
0x8a: {  	s26 =	simm.s32 $0x12800;
	s24 =	sadd.s32 $0xC00, s11;
	[sflag:s25] =	ssyncadd.s32 $0xFFFFE000  }
0x8b: {  	[hbm4b:s24+s3] =	stream.linear.scatter [tilespmem:s26], [sflag:$0xC], $0x2000, $0x38;
	[tilespmem:$0x1C800] =	vst v63  }
0x8c: {  	_ =	swait.ge [sflag:s28], $0x2000  }
0x8d: {  	[sflag:s28] =	ssyncset.done $0x0  }
0x8e: {  	s1 =	sadd.s32 $0xFFFFFE00, s14;
	[sflag:s28] =	ssyncadd.s32 $0xFFFFE000  }
0x8f: {  	[tilespmem:s26], [sflag:$0x4] =	stream.indirect.gather [hbm4b:s2+s15], $0x80, s1, s15, $0xb8;
	[tilespmem:$0x1C800] =	vst v63  }
0x90: {  	_ =	swait.ge [sflag:s30], $0x2000  }
0x91: {  	[sflag:s30] =	ssyncset.done $0x0  }
0x92: {  	s29 =	simm.s32 $0x14800;
	s26 =	sadd.s32 $0x1000, s11;
	[sflag:s30] =	ssyncadd.s32 $0xFFFFE000  }
0x93: {  	[hbm4b:s26+s3] =	stream.linear.scatter [tilespmem:s29], [sflag:$0xD], $0x2000, $0x38;
	[tilespmem:$0x1C800] =	vst v63  }
0x94: {  	_ =	swait.ge [sflag:s4], $0x2000  }
0x95: {  	[sflag:s4] =	ssyncset.done $0x0  }
0x96: {  	s1 =	sadd.s32 $0xFFFFFE80, s14;
	[sflag:s4] =	ssyncadd.s32 $0xFFFFE000  }
0x97: {  	[tilespmem:s29], [sflag:$0x5] =	stream.indirect.gather [hbm4b:s2+s15], $0x80, s1, s15, $0xb8;
	[tilespmem:$0x1C800] =	vst v63  }
0x98: {  	_ =	swait.ge [sflag:s5], $0x2000  }
0x99: {  	[sflag:s5] =	ssyncset.done $0x0  }
0x9a: {  	s31 =	simm.s32 $0x16800;
	s1 =	sadd.s32 $0x1400, s11;
	[sflag:s5] =	ssyncadd.s32 $0xFFFFE000  }
0x9b: {  	[hbm4b:s1+s3] =	stream.linear.scatter [tilespmem:s31], [sflag:$0xE], $0x2000, $0x38;
	[tilespmem:$0x1C800] =	vst v63  }
0x9c: {  	_ =	swait.ge [sflag:s6], $0x2000  }
0x9d: {  	[sflag:s6] =	ssyncset.done $0x0  }
0x9e: {  	s1 =	sadd.s32 $0xFFFFFF00, s14;
	[sflag:s6] =	ssyncadd.s32 $0xFFFFE000  }
0x9f: {  	[tilespmem:s31], [sflag:$0x6] =	stream.indirect.gather [hbm4b:s2+s15], $0x80, s1, s15, $0xb8;
	[tilespmem:$0x1C800] =	vst v63  }
0xa0: {  	_ =	swait.ge [sflag:s7], $0x2000  }
0xa1: {  	[sflag:s7] =	ssyncset.done $0x0  }
0xa2: {  	s16 =	sadd.s32 $0x1800, s11;
	s1 =	simm.s32 $0x18800;
	[sflag:s7] =	ssyncadd.s32 $0xFFFFE000  }
0xa3: {  	[hbm4b:s16+s3] =	stream.linear.scatter [tilespmem:s1], [sflag:$0xF], $0x2000, $0x38;
	[tilespmem:$0x1C800] =	vst v63  }
0xa4: {  	_ =	swait.ge [sflag:s8], $0x2000  }
0xa5: {  	[sflag:s8] =	ssyncset.done $0x0  }
0xa6: {  	p0 =	sne.s32 s13, $0x60000;
	s16 =	sadd.s32 $0xFFFFFF80, s14;
	[sflag:s8] =	ssyncadd.s32 $0xFFFFE000  }
0xa7: {  	[tilespmem:s1], [sflag:$0x7] =	stream.indirect.gather [hbm4b:s2+s15], $0x80, s16, s15, $0xb8;
	[tilespmem:$0x1C800] =	vst v63  }
0xa8: {  	s13 =	sadd.s32 $0x2000, s13;
	s18 =	simm.s32 $0xC800;
	_ =	swait.ge [sflag:s9], $0x2000  }
0xa9: {  	s12 =	smov.u32 s14;
	s20 =	simm.s32 $0xE800;
	[sflag:s9] =	ssyncset.done $0x0  }
.Ltmp0:
0xaa: {  	s11 =	sadd.s32 $0x1C00, s11;
	[sflag:s9] =	ssyncadd.s32 $0xFFFFE000;
	(pc) =	sbr.rel @p0 .LBB2_2-.Ltmp0, $4  }
0xab: {  	[hbm4b:s11+s3] =	stream.linear.scatter [tilespmem:s0], [sflag:$0x10], $0x2000, $0x38;
	[tilespmem:$0x1C800] =	vst v63  }
0xac: {  	s22 =	simm.s32 $0x10800;
	s24 =	simm.s32 $0x12800;
	_ =	swait.ge [sflag:s10], $0x2000  }
0xad: {  	s26 =	simm.s32 $0x14800;
	s29 =	simm.s32 $0x16800;
	[sflag:s10] =	ssyncset.done $0x0  }
0xae: {  	s31 =	simm.s32 $0x18800;
	s14 =	sadd.s32 $0x400, s14;
	[sflag:s10] =	ssyncadd.s32 $0xFFFFE000  }
0xaf: {  	s0 =	simm.s32 $0x1A800;
	s1 =	simm.s32 $0x1  }
0xb0: {  	[tilespmem:s0], [sflag:$0x8] =	stream.indirect.gather [hbm4b:s2+s15], $0x80, s12, s15, $0xb8;
	[tilespmem:$0x1C800] =	vst v63  }
0xb1: {  	_ =	swait.ge [sflag:s1], $0x2000  }
0xb2: {  	[sflag:s1] =	ssyncset.done $0x0  }
0xb3: {  	s11 =	rddreg [dreg:$0x7];
	[sflag:s1] =	ssyncadd.s32 $0xFFFFE000  }
0xb4: {  	[hbm4b:s11+s3] =	stream.linear.scatter [tilespmem:s18], [sflag:$0x9], $0x2000, $0x38;
	[tilespmem:$0x1C800] =	vst v63  }
0xb5: {  	_ =	swait.ge [sflag:s17], $0x2000  }
0xb6: {  	[sflag:s17] =	ssyncset.done $0x0  }
0xb7: {  	s13 =	rddreg [dreg:$0x8];
	[sflag:s17] =	ssyncadd.s32 $0xFFFFE000  }
0xb8: {  	[hbm4b:s13+s3] =	stream.linear.scatter [tilespmem:s20], [sflag:$0xA], $0x2000, $0x38;
	[tilespmem:$0x1C800] =	vst v63  }
0xb9: {  	_ =	swait.ge [sflag:s21], $0x2000  }
0xba: {  	[sflag:s21] =	ssyncset.done $0x0  }
0xbb: {  	s14 =	rddreg [dreg:$0x9];
	[sflag:s21] =	ssyncadd.s32 $0xFFFFE000  }
0xbc: {  	[hbm4b:s14+s3] =	stream.linear.scatter [tilespmem:s22], [sflag:$0xB], $0x2000, $0x38;
	[tilespmem:$0x1C800] =	vst v63  }
0xbd: {  	_ =	swait.ge [sflag:s25], $0x2000  }
0xbe: {  	[sflag:s25] =	ssyncset.done $0x0  }
0xbf: {  	s16 =	rddreg [dreg:$0xa];
	[sflag:s25] =	ssyncadd.s32 $0xFFFFE000  }
0xc0: {  	[hbm4b:s16+s3] =	stream.linear.scatter [tilespmem:s24], [sflag:$0xC], $0x2000, $0x38;
	[tilespmem:$0x1C800] =	vst v63  }
0xc1: {  	_ =	swait.ge [sflag:s30], $0x2000  }
0xc2: {  	[sflag:s30] =	ssyncset.done $0x0  }
0xc3: {  	s18 =	rddreg [dreg:$0xb];
	[sflag:s30] =	ssyncadd.s32 $0xFFFFE000  }
0xc4: {  	[hbm4b:s18+s3] =	stream.linear.scatter [tilespmem:s26], [sflag:$0xD], $0x2000, $0x38;
	[tilespmem:$0x1C800] =	vst v63  }
0xc5: {  	_ =	swait.ge [sflag:s5], $0x2000  }
0xc6: {  	[sflag:s5] =	ssyncset.done $0x0  }
0xc7: {  	s20 =	rddreg [dreg:$0xc];
	[sflag:s5] =	ssyncadd.s32 $0xFFFFE000  }
0xc8: {  	[hbm4b:s20+s3] =	stream.linear.scatter [tilespmem:s29], [sflag:$0xE], $0x2000, $0x38;
	[tilespmem:$0x1C800] =	vst v63  }
0xc9: {  	_ =	swait.ge [sflag:s7], $0x2000  }
0xca: {  	[sflag:s7] =	ssyncset.done $0x0  }
0xcb: {  	s22 =	rddreg [dreg:$0xd];
	[sflag:s7] =	ssyncadd.s32 $0xFFFFE000  }
0xcc: {  	[hbm4b:s22+s3] =	stream.linear.scatter [tilespmem:s31], [sflag:$0xF], $0x2000, $0x38;
	[tilespmem:$0x1C800] =	vst v63  }
0xcd: {  	_ =	swait.ge [sflag:s9], $0x2000  }
0xce: {  	[sflag:s9] =	ssyncset.done $0x0  }
0xcf: {  	s26 =	simm.s32 $0x9;
	s24 =	rddreg [dreg:$0xe];
	[sflag:s9] =	ssyncadd.s32 $0xFFFFE000  }
0xd0: {  	[hbm4b:s24+s3] =	stream.linear.scatter [tilespmem:s0], [sflag:$0x10], $0x2000, $0x38;
	[tilespmem:$0x1C800] =	vst v63  }
0xd1: {  	_ =	swait.ge [sflag:s26], $0x2000  }
0xd2: {  	[sflag:s26] =	ssyncset.done $0x0  }
0xd3: {  	[sflag:s26] =	ssyncadd.s32 $0xFFFFE000  }
0xd4: {  	_ =	swait.ge [sflag:s19], $0x2000  }
0xd5: {  	[sflag:s19] =	ssyncset.done $0x0  }
0xd6: {  	[sflag:s19] =	ssyncadd.s32 $0xFFFFE000  }
0xd7: {  	_ =	swait.ge [sflag:s23], $0x2000  }
0xd8: {  	[sflag:s23] =	ssyncset.done $0x0  }
0xd9: {  	[sflag:s23] =	ssyncadd.s32 $0xFFFFE000  }
0xda: {  	_ =	swait.ge [sflag:s28], $0x2000  }
0xdb: {  	[sflag:s28] =	ssyncset.done $0x0  }
0xdc: {  	[sflag:s28] =	ssyncadd.s32 $0xFFFFE000  }
0xdd: {  	_ =	swait.ge [sflag:s4], $0x2000  }
0xde: {  	[sflag:s4] =	ssyncset.done $0x0  }
0xdf: {  	[sflag:s4] =	ssyncadd.s32 $0xFFFFE000  }
0xe0: {  	_ =	swait.ge [sflag:s6], $0x2000  }
0xe1: {  	[sflag:s6] =	ssyncset.done $0x0  }
0xe2: {  	[sflag:s6] =	ssyncadd.s32 $0xFFFFE000  }
0xe3: {  	_ =	swait.ge [sflag:s8], $0x2000  }
0xe4: {  	[sflag:s8] =	ssyncset.done $0x0  }
0xe5: {  	[sflag:s8] =	ssyncadd.s32 $0xFFFFE000  }
0xe6: {  	_ =	swait.ge [sflag:s10], $0x2000  }
0xe7: {  	s29 =	rddreg [dreg:$0x10]  }
0xe8: {  	s31 =	rddreg [dreg:$0xf];
	s0 =	sadd.s32 $0x1, s29  }
0xe9: {  	p0 =	sne.s32 s0, s31  }
.Ltmp1:
0xea: {  	_ = 	snop;
	(pc) =	sbr.rel @p0 .LBB2_1-.Ltmp1, $3  }
0xeb: {  	_ =	sdelay $0x1  }
0xec: {  	[sflag:s10] =	ssyncset.done $0x0  }
0xed: {  	[sflag:s10] =	ssyncadd.s32 $0xFFFFE000  }
0xee: {  	_ =	sfence.sel $0x180000  }
0xef: {  	[bflag:$0x0] =	sbarrier.arrive $0xFFFF  }
0xf0: {  	_ =	strace $0x90000047  }
0xf1: {  	s0 =	stileid.u32;
	[bflag:$0x2] =	sbarrier.arrive $0xFFFF  }
0xf2: {  	p0 =	sne.s32 s0, $0x0;
	s0 =	rddreg [dreg:$0x3]  }
0xf3: {  	s0 =	sadd.s32 @!p0 $0x100000, s0  }
0xf4: {  	[sflag:s0] =	ssyncadd.tile.s32 @!p0 $0x1;
	_ =	shalt  }
.Lfunc_end2:
_tile_overlayer_lowered:
.L_overlay_start_2:
0xf5: {  	(tag) =	ssettag $0x2  }
0xf6: {  	s0 =	rddreg [dreg:$0x0];
	s2 =	stileid.u32  }
0xf7: {  	s1 =	rddreg [dreg:$0x1];
	p0 =	sne.s32 s2, $0x0  }
0xf8: {  	s3 =	rddreg [dreg:$0x2];
	[bflag:$0x3] =	sbarrier.arrive $0xFFFF;
	s2 =	simm.s32 @!p0 $0x1C11  }
0xf9: {  	[timem:s3], [sflag:s2] =	dma.local @!p0 [hbm:s0], s1  }
0xfa: {  	s0 =	simm.s32 @!p0 $0x11  }
0xfb: {  	_ =	swait.ge @!p0 [sflag:s0], s1  }
0xfc: {  	s1 =	ssub.s32 @!p0 $0x0, s1;
	[sflag:s0] =	ssyncset.done @!p0 $0x0  }
0xfd: {  	[sflag:s0] =	ssyncadd.s32 @!p0 s1  }
0xfe: {  	[bflag:$0x3] =	sbarrier.arrive $0xFFFF  }
0xff: {  	_ =	shalt  }

</sc_bundles>
